<compile_context>
chip_gen: v7x
topology: tpu7x:2x2x1
jax: 0.10.2.dev20260603
libtpu: 0.0.44.dev20260713+nightly
codegen_flags: <defaults>
</compile_context>

<pallas_src>
import functools

import jax
import jax.numpy as jnp
from jax import lax
from jax.experimental import pallas as pl
from jax.experimental.pallas import tpu as pltpu
from jax.experimental.pallas import tpu_sc as plsc

_ALPHA = 32.0
_BLK = 512
_CH = 64


def _pack_bf16(a, b):
    ua = lax.bitcast_convert_type(a.astype(jnp.bfloat16), jnp.uint16)
    ub = lax.bitcast_convert_type(b.astype(jnp.bfloat16), jnp.uint16)
    w = ua.astype(jnp.uint32) | (ub.astype(jnp.uint32) << 16)
    return lax.bitcast_convert_type(w, jnp.int32)


def _unpack_bf16(w):
    u = lax.bitcast_convert_type(w, jnp.uint32)
    lo = lax.bitcast_convert_type((u & 0xFFFF).astype(jnp.uint16), jnp.bfloat16)
    hi = lax.bitcast_convert_type((u >> 16).astype(jnp.uint16), jnp.bfloat16)
    return lo, hi



def _route_body(x_ref, rw_ref, pos_ref, be_ref, w1_ref, w2_ref, xpk_ref,
                oh1_ref, oh2_ref):
    t, h = x_ref.shape
    e = rw_ref.shape[1]
    nchunks = (2 * t) // _BLK
    half = nchunks // 2
    nb_total = pos_ref.shape[0] // _BLK + e

    x = x_ref[...]
    logits = jnp.dot(x, rw_ref[...], preferred_element_type=jnp.float32)
    m = jnp.max(logits, axis=-1, keepdims=True)
    p = jnp.exp(logits - m)
    p = p / jnp.sum(p, axis=-1, keepdims=True)
    eidx = jax.lax.broadcasted_iota(jnp.int32, p.shape, 1)
    i1 = jnp.argmax(p, axis=-1)
    oh1 = (eidx == i1[:, None]).astype(jnp.float32)
    v1 = jnp.max(p, axis=-1)
    pm = jnp.where(oh1 > 0, -jnp.inf, p)
    i2 = jnp.argmax(pm, axis=-1)
    oh2 = (eidx == i2[:, None]).astype(jnp.float32)
    v2 = jnp.max(pm, axis=-1)
    den = v1 + v2
    w1_ref[...] = (v1 / den)[:, None]
    w2_ref[...] = (v2 / den)[:, None]
    oh1_ref[...] = oh1
    oh2_ref[...] = oh2
    hh = h // 2
    xpk_ref[...] = _pack_bf16(x[:, :hh], x[:, hh:])

    rows = jax.lax.broadcasted_iota(jnp.int32, (_BLK, _BLK), 0)
    cols = jax.lax.broadcasted_iota(jnp.int32, (_BLK, _BLK), 1)
    lts = (rows > cols).astype(jnp.float32)

    cnt = (jnp.sum(oh1, axis=0, keepdims=True)
           + jnp.sum(oh2, axis=0, keepdims=True))
    nb = jnp.floor((cnt + (_BLK - 1)) * (1.0 / _BLK))
    ri = jax.lax.broadcasted_iota(jnp.int32, (e, e), 0)
    ci = jax.lax.broadcasted_iota(jnp.int32, (e, e), 1)
    ut = (ri < ci).astype(jnp.float32)
    start_blk = jnp.dot(nb, ut, preferred_element_type=jnp.float32)
    off = start_blk * float(_BLK)

    def load_chunk(j):
        o = (lax.rem(j, half)) * _BLK
        a = oh1_ref[pl.ds(o, _BLK), :]
        b = oh2_ref[pl.ds(o, _BLK), :]
        return jnp.where(j < half, a, b)

    def body(j, carry):
        oh = load_chunk(j)
        rank = jnp.dot(lts, oh, preferred_element_type=jnp.float32) + carry
        posf = jnp.sum(oh * (rank + off), axis=1, keepdims=True)
        pos_ref[pl.ds(j * _BLK, _BLK), :] = posf.astype(jnp.int32)
        return carry + jnp.sum(oh, axis=0, keepdims=True)

    lax.fori_loop(0, nchunks, body, jnp.zeros((1, e), jnp.float32))

    bi = jax.lax.broadcasted_iota(jnp.int32, (nb_total, e), 0).astype(jnp.float32)
    be = jnp.sum((bi >= start_blk).astype(jnp.float32), axis=1, keepdims=True)
    be_ref[...] = be.astype(jnp.int32) - 1


def _route(x, router_w, nb_total):
    t, h = x.shape
    e = router_w.shape[1]
    return pl.pallas_call(
        _route_body,
        out_shape=[
            jax.ShapeDtypeStruct((2 * t, 1), jnp.int32),
            jax.ShapeDtypeStruct((nb_total, 1), jnp.int32),
            jax.ShapeDtypeStruct((t, 1), jnp.float32),
            jax.ShapeDtypeStruct((t, 1), jnp.float32),
            jax.ShapeDtypeStruct((t, h // 2), jnp.int32),
        ],
        scratch_shapes=[
            pltpu.VMEM((t, e), jnp.float32),
            pltpu.VMEM((t, e), jnp.float32),
        ],
    )(x, router_w)



def _make_sc_scatter(t, hw, cap, nw):
    rows_per_w = 2 * t // nw
    nchunk = rows_per_w // _CH
    mesh = plsc.VectorSubcoreMesh(core_axis_name="c", subcore_axis_name="s",
                                  num_cores=2, num_subcores=16)

    @functools.partial(
        pl.kernel,
        out_type=jax.ShapeDtypeStruct((cap, hw), jnp.int32),
        mesh=mesh,
        scratch_types=[
            pltpu.VMEM((nchunk, _CH), jnp.int32),
            pltpu.VMEM((3, _CH, hw), jnp.int32),
            pltpu.SemaphoreType.DMA,
            pltpu.SemaphoreType.DMA,
            pltpu.SemaphoreType.DMA,
            pltpu.SemaphoreType.DMA,
            pltpu.SemaphoreType.DMA,
            pltpu.SemaphoreType.DMA,
        ],
    )
    def sc_scatter(pos2d, x, xs, idx_v, xbuf,
                   lsem0, lsem1, lsem2, ssem0, ssem1, ssem2):
        nc = 2
        wid = lax.axis_index("s") * nc + lax.axis_index("c")
        row0 = wid * nchunk
        pltpu.sync_copy(pos2d.at[pl.ds(row0, nchunk)], idx_v)
        tbase = lax.rem(wid, nw // 2) * rows_per_w
        lsems = (lsem0, lsem1, lsem2)
        ssems = (ssem0, ssem1, ssem2)

        loads = [None] * nchunk
        stores = [None] * nchunk
        loads[0] = pltpu.async_copy(
            x.at[pl.ds(tbase, _CH)], xbuf.at[0], lsems[0])
        for c in range(nchunk):
            if c >= 2:
                stores[c - 2].wait()
            if c + 1 < nchunk:
                loads[c + 1] = pltpu.async_copy(
                    x.at[pl.ds(tbase + (c + 1) * _CH, _CH)],
                    xbuf.at[(c + 1) % 3], lsems[(c + 1) % 3])
            loads[c].wait()
            stores[c] = pltpu.async_copy(
                xbuf.at[c % 3], xs.at[idx_v.at[c]], ssems[c % 3])
        for c in range(max(0, nchunk - 2), nchunk):
            stores[c].wait()

    return sc_scatter



def _gmm_body(be_ref, xs_ref, wg_ref, wu_ref, wd_ref, la_ref, lb_ref,
              out_ref):
    xlo, xhi = _unpack_bf16(xs_ref[...])
    hh = xlo.shape[1]
    wg = wg_ref[0].astype(jnp.bfloat16)
    wu = wu_ref[0].astype(jnp.bfloat16)
    wd = wd_ref[0].astype(jnp.bfloat16)
    g = (jnp.dot(xlo, wg[:hh], preferred_element_type=jnp.float32)
         + jnp.dot(xhi, wg[hh:], preferred_element_type=jnp.float32))
    u = (jnp.dot(xlo, wu[:hh], preferred_element_type=jnp.float32)
         + jnp.dot(xhi, wu[hh:], preferred_element_type=jnp.float32))
    hdn = (g * jax.nn.sigmoid(g)) * u
    y = jnp.dot(hdn.astype(jnp.bfloat16), wd,
                preferred_element_type=jnp.float32)
    r = la_ref.shape[1]
    la = la_ref[...].astype(jnp.bfloat16)
    lb = lb_ref[...].astype(jnp.bfloat16)
    xa = (jnp.dot(xlo, la[:hh], preferred_element_type=jnp.float32)
          + jnp.dot(xhi, la[hh:], preferred_element_type=jnp.float32))
    y = y + jnp.dot(xa.astype(jnp.bfloat16), lb,
                    preferred_element_type=jnp.float32) * (_ALPHA / r)
    yh = y.shape[1] // 2
    out_ref[...] = _pack_bf16(y[:, :yh], y[:, yh:])


def _gmm(xs, W_gate, W_up, W_down, lora_A, lora_B, be):
    cap, hw = xs.shape
    h = 2 * hw
    e, _, esz = W_gate.shape
    r = lora_A.shape[1]
    nb_total = cap // _BLK
    grid_spec = pltpu.PrefetchScalarGridSpec(
        num_scalar_prefetch=1,
        grid=(nb_total,),
        in_specs=[
            pl.BlockSpec((_BLK, hw), lambda i, s: (i, 0)),
            pl.BlockSpec((1, h, esz), lambda i, s: (s[i], 0, 0)),
            pl.BlockSpec((1, h, esz), lambda i, s: (s[i], 0, 0)),
            pl.BlockSpec((1, esz, h), lambda i, s: (s[i], 0, 0)),
            pl.BlockSpec((h, r), lambda i, s: (0, 0)),
            pl.BlockSpec((r, h), lambda i, s: (0, 0)),
        ],
        out_specs=pl.BlockSpec((_BLK, hw), lambda i, s: (i, 0)),
    )
    return pl.pallas_call(
        _gmm_body,
        grid_spec=grid_spec,
        out_shape=jax.ShapeDtypeStruct((cap, hw), jnp.int32),
        compiler_params=pltpu.CompilerParams(
            dimension_semantics=("arbitrary",),
        ),
    )(be, xs, W_gate, W_up, W_down, lora_A, lora_B)



def _make_sc_gather(t, hw, cap, nw):
    pairs_per_w = 2 * t // nw
    nchunk = pairs_per_w // _CH
    mesh = plsc.VectorSubcoreMesh(core_axis_name="c", subcore_axis_name="s",
                                  num_cores=2, num_subcores=16)

    @functools.partial(
        pl.kernel,
        out_type=jax.ShapeDtypeStruct((2 * t, hw), jnp.int32),
        mesh=mesh,
        scratch_types=[
            pltpu.VMEM((nchunk, _CH), jnp.int32),
            pltpu.VMEM((3, _CH, hw), jnp.int32),
            pltpu.SemaphoreType.DMA,
            pltpu.SemaphoreType.DMA,
            pltpu.SemaphoreType.DMA,
            pltpu.SemaphoreType.DMA,
            pltpu.SemaphoreType.DMA,
            pltpu.SemaphoreType.DMA,
        ],
    )
    def sc_gather(ys, pos2d, ytcat, idx_v, buf,
                  gsem0, gsem1, gsem2, ssem0, ssem1, ssem2):
        nc = 2
        wid = lax.axis_index("s") * nc + lax.axis_index("c")
        pltpu.sync_copy(pos2d.at[pl.ds(wid * nchunk, nchunk)], idx_v)
        p0 = wid * pairs_per_w
        gsems = (gsem0, gsem1, gsem2)
        ssems = (ssem0, ssem1, ssem2)

        gathers = [None] * nchunk
        stores = [None] * nchunk
        gathers[0] = pltpu.async_copy(ys.at[idx_v.at[0]], buf.at[0], gsems[0])
        for c in range(nchunk):
            if c >= 2:
                stores[c - 2].wait()
            if c + 1 < nchunk:
                gathers[c + 1] = pltpu.async_copy(
                    ys.at[idx_v.at[c + 1]], buf.at[(c + 1) % 3],
                    gsems[(c + 1) % 3])
            gathers[c].wait()
            stores[c] = pltpu.async_copy(
                buf.at[c % 3], ytcat.at[pl.ds(p0 + c * _CH, _CH)],
                ssems[c % 3])
        for c in range(max(0, nchunk - 2), nchunk):
            stores[c].wait()

    return sc_gather



def _finalize_body(w1_ref, w2_ref, y1_ref, y2_ref, out_ref):
    y1lo, y1hi = _unpack_bf16(y1_ref[...])
    y1 = jnp.concatenate([y1lo, y1hi], axis=1).astype(jnp.float32)
    y2lo, y2hi = _unpack_bf16(y2_ref[...])
    y2 = jnp.concatenate([y2lo, y2hi], axis=1).astype(jnp.float32)
    out_ref[...] = w1_ref[...] * y1 + w2_ref[...] * y2


def _finalize(w1, w2, ytcat, h):
    t = w1.shape[0]
    tb = 1024
    return pl.pallas_call(
        _finalize_body,
        grid=(t // tb,),
        in_specs=[
            pl.BlockSpec((tb, 1), lambda i: (i, 0)),
            pl.BlockSpec((tb, 1), lambda i: (i, 0)),
            pl.BlockSpec((tb, h // 2), lambda i: (i, 0)),
            pl.BlockSpec((tb, h // 2), lambda i: (i + t // tb, 0)),
        ],
        out_specs=pl.BlockSpec((tb, h), lambda i: (i, 0)),
        out_shape=jax.ShapeDtypeStruct((t, h), jnp.float32),
    )(w1, w2, ytcat, ytcat)



def kernel(input, router_w, W_gate, W_up, W_down, lora_A, lora_B):
    b, s, h = input.shape
    t = b * s
    e = router_w.shape[1]
    x = input.reshape(t, h)
    nb_total = (2 * t) // _BLK + e
    cap = nb_total * _BLK
    nw = 32
    hw = h // 2

    pos, be, w1, w2, xpk = _route(x, router_w, nb_total)
    pos2d = pos.reshape(2 * t // _CH, _CH)

    xs = _make_sc_scatter(t, hw, cap, nw)(pos2d, xpk)
    ys = _gmm(xs, W_gate, W_up, W_down, lora_A, lora_B,
              be.reshape(nb_total))
    ytcat = _make_sc_gather(t, hw, cap, nw)(ys, pos2d)
    out = _finalize(w1, w2, ytcat, h)
    return out.reshape(b, s, h)

# --- scband reference (transcript-rebuilt; emitter-appended) ---
"""Pipeline reference for scband-sparse-mlpwith-lo-ra-5703716569787 (READ-ONLY COPY).

The authoritative reference and input builder live on the scoring server;
editing this copy changes nothing except your own understanding.
"""

import jax, jax.numpy as jnp
import numpy as np

B, S, H = 2, 2048, 1024
E, ESZ, R = 8, 512, 16
TOPK = 2
ALPHA = 32.0

def setup_inputs(seed: int = 0) -> dict:
    key = jax.random.key(seed)
    ks = jax.random.split(key, 7)
    std = 0.02
    return {
        "input": jax.random.normal(ks[0], (B, S, H), dtype=jnp.float32),
        "router_w": jax.random.normal(ks[1], (H, E), dtype=jnp.float32) * std,
        "W_gate": jax.random.normal(ks[2], (E, H, ESZ), dtype=jnp.float32) * std,
        "W_up": jax.random.normal(ks[3], (E, H, ESZ), dtype=jnp.float32) * std,
        "W_down": jax.random.normal(ks[4], (E, ESZ, H), dtype=jnp.float32) * std,
        "lora_A": jax.random.normal(ks[5], (H, R), dtype=jnp.float32) * std,
        "lora_B": jax.random.normal(ks[6], (R, H), dtype=jnp.float32) * std,
    }

def reference(input, router_w, W_gate, W_up, W_down, lora_A, lora_B):
    b, s, h = input.shape
    x = input.reshape(-1, h)  # [T, H]
    T = x.shape[0]
    # Router: softmax over experts, top-k selection, renormalized combine weights
    logits = x @ router_w                     # [T, E]
    probs = jax.nn.softmax(logits, axis=-1)   # [T, E]
    vals, idx = jax.lax.top_k(probs, TOPK)    # [T, K]
    vals = vals / jnp.sum(vals, axis=-1, keepdims=True)
    combine = jnp.zeros((T, E), dtype=x.dtype).at[jnp.arange(T)[:, None], idx].add(vals)  # [T, E]
    # GLU-style expert MLPs (SiLU activation)
    def expert_fn(wg, wu, wd):
        hdn = jax.nn.silu(x @ wg) * (x @ wu)  # [T, ESZ]
        return hdn @ wd                        # [T, H]
    expert_out = jax.vmap(expert_fn)(W_gate, W_up, W_down)  # [E, T, H]
    moe_out = jnp.einsum('te,eth->th', combine, expert_out)  # [T, H]
    # Shared LoRA adapter on the sparse MLP (dropout rate = 0.0)
    lora_out = ((x @ lora_A) @ lora_B) * (ALPHA / R)
    out = (moe_out + lora_out).reshape(b, s, h)
    return out

if __name__ == "__main__":
    import jax
    _d = setup_inputs()
    print(jax.jit(kernel)(*tuple(_d.values())))

</pallas_src>

<mosaic_0001>
#map = affine_map<(d0, d1) -> (0, 0)>
module attributes {stable_mosaic.version = 14 : i64} {
  func.func @sc_gather(%arg0: i32, %arg1: i32, %arg2: memref<12288x512xi32, #tpu.memory_space<hbm>>, %arg3: memref<128x64xi32, #tpu.memory_space<hbm>>, %arg4: memref<8192x512xi32, #tpu.memory_space<hbm>>, %arg5: memref<4x64xi32, #tpu.memory_space<vmem>>, %arg6: memref<3x64x512xi32, #tpu.memory_space<vmem>>, %arg7: memref<!tpu.dma_semaphore, #tpu.memory_space<semaphore_mem>>, %arg8: memref<!tpu.dma_semaphore, #tpu.memory_space<semaphore_mem>>, %arg9: memref<!tpu.dma_semaphore, #tpu.memory_space<semaphore_mem>>, %arg10: memref<!tpu.dma_semaphore, #tpu.memory_space<semaphore_mem>>, %arg11: memref<!tpu.dma_semaphore, #tpu.memory_space<semaphore_mem>>, %arg12: memref<!tpu.dma_semaphore, #tpu.memory_space<semaphore_mem>>) attributes {dimension_semantics = [#tpu.dimension_semantics<core_parallel>, #tpu.dimension_semantics<subcore_parallel>], iteration_bounds = array<i64: 2, 16>, scalar_prefetch = 0 : i64, scratch_operands = 8 : i64, tpu.core_type = #tpu.core_type<sc_vector_subcore>, window_params = [{transform_indices = #map}, {transform_indices = #map}, {transform_indices = #map}]} {
    %mul3A = arith.constant 2 : i32
    %mul3A_0 = arith.muli %arg1, %mul3A : i32
    %add3A = arith.addi %mul3A_0, %arg0 : i32
    %mul3A_1 = arith.constant 4 : i32
    %mul3A_2 = arith.muli %add3A, %mul3A_1 : i32
    "tpu.region"() ({
      %run_scoped3A = tpu.sem_alloc : memref<!tpu.dma_semaphore, #tpu.memory_space<semaphore_mem>>
      %dma_start3A_211 = arith.constant 0 : i32
      %dma_start3A_212 = tpu.memref_slice %arg3[%mul3A_2, %dma_start3A_211] : memref<128x64xi32, #tpu.memory_space<hbm>> -> memref<4x64xi32, #tpu.memory_space<hbm>>
      %dma_start3A_213 = arith.constant 0 : i32
      %dma_start3A_214 = tpu.memref_slice %arg3[%mul3A_2, %dma_start3A_213] : memref<128x64xi32, #tpu.memory_space<hbm>> -> memref<4x64xi32, #tpu.memory_space<hbm>>
      tpu.enqueue_dma source(%dma_start3A_214 : memref<4x64xi32, #tpu.memory_space<hbm>>) target(%arg5 : memref<4x64xi32, #tpu.memory_space<vmem>>) target_semaphore(%run_scoped3A : memref<!tpu.dma_semaphore, #tpu.memory_space<semaphore_mem>>)
      %dma_wait3A_215 = arith.constant 0 : i32
      %dma_wait3A_216 = tpu.memref_slice %arg3[%mul3A_2, %dma_wait3A_215] : memref<128x64xi32, #tpu.memory_space<hbm>> -> memref<4x64xi32, #tpu.memory_space<hbm>>
      %dma_wait3A_217 = arith.constant 0 : i32
      %dma_wait3A_218 = tpu.memref_slice %arg3[%mul3A_2, %dma_wait3A_217] : memref<128x64xi32, #tpu.memory_space<hbm>> -> memref<4x64xi32, #tpu.memory_space<hbm>>
      tpu.wait_dma2 semaphore(%run_scoped3A : memref<!tpu.dma_semaphore, #tpu.memory_space<semaphore_mem>>) src(%dma_wait3A_218 : memref<4x64xi32, #tpu.memory_space<hbm>>) dst(%arg5 : memref<4x64xi32, #tpu.memory_space<vmem>>)
      tpu.yield
    }) : () -> ()
    %mul3A_3 = arith.constant 256 : i32
    %mul3A_4 = arith.muli %add3A, %mul3A_3 : i32
    %dma_start3A = arith.constant 0 : i32
    %dma_start3A_5 = arith.constant 0 : i32
    %dma_start3A_6 = arith.constant 0 : i32
    %dma_start3A_7 = arith.constant 0 : i32
    %dma_start3A_8 = tpu.memref_slice %arg6[%dma_start3A_5, %dma_start3A_6, %dma_start3A_7] : memref<3x64x512xi32, #tpu.memory_space<vmem>> -> memref<1x64x512xi32, #tpu.memory_space<vmem>>
    %dma_start3A_9 = tpu.memref_squeeze %dma_start3A_8 : memref<1x64x512xi32, #tpu.memory_space<vmem>> -> memref<64x512xi32, #tpu.memory_space<vmem>>
    %dma_start3A_10 = arith.constant 0 : i32
    %dma_start3A_11 = tpu.memref_slice %arg5[%dma_start3A, %dma_start3A_10] : memref<4x64xi32, #tpu.memory_space<vmem>> -> memref<1x64xi32, #tpu.memory_space<vmem>>
    %dma_start3A_12 = tpu.memref_squeeze %dma_start3A_11 : memref<1x64xi32, #tpu.memory_space<vmem>> -> memref<64xi32, #tpu.memory_space<vmem>>
    %dma_start3A_13 = arith.constant 0 : i32
    %dma_start3A_14 = arith.constant 0 : i32
    %dma_start3A_15 = tpu.memref_slice %arg2[%dma_start3A_13, %dma_start3A_14] : memref<12288x512xi32, #tpu.memory_space<hbm>> -> memref<12288x512xi32, #tpu.memory_space<hbm>>
    tpu.enqueue_indirect_dma source(%dma_start3A_15 : memref<12288x512xi32, #tpu.memory_space<hbm>>) target(%dma_start3A_9 : memref<64x512xi32, #tpu.memory_space<vmem>>) offsets(%dma_start3A_12 : memref<64xi32, #tpu.memory_space<vmem>>) semaphore(%arg7 : memref<!tpu.dma_semaphore, #tpu.memory_space<semaphore_mem>>)
    %dma_start3A_16 = arith.constant 1 : i32
    %dma_start3A_17 = arith.constant 1 : i32
    %dma_start3A_18 = arith.constant 0 : i32
    %dma_start3A_19 = arith.constant 0 : i32
    %dma_start3A_20 = tpu.memref_slice %arg6[%dma_start3A_17, %dma_start3A_18, %dma_start3A_19] : memref<3x64x512xi32, #tpu.memory_space<vmem>> -> memref<1x64x512xi32, #tpu.memory_space<vmem>>
    %dma_start3A_21 = tpu.memref_squeeze %dma_start3A_20 : memref<1x64x512xi32, #tpu.memory_space<vmem>> -> memref<64x512xi32, #tpu.memory_space<vmem>>
    %dma_start3A_22 = arith.constant 0 : i32
    %dma_start3A_23 = tpu.memref_slice %arg5[%dma_start3A_16, %dma_start3A_22] : memref<4x64xi32, #tpu.memory_space<vmem>> -> memref<1x64xi32, #tpu.memory_space<vmem>>
    %dma_start3A_24 = tpu.memref_squeeze %dma_start3A_23 : memref<1x64xi32, #tpu.memory_space<vmem>> -> memref<64xi32, #tpu.memory_space<vmem>>
    %dma_start3A_25 = arith.constant 0 : i32
    %dma_start3A_26 = arith.constant 0 : i32
    %dma_start3A_27 = tpu.memref_slice %arg2[%dma_start3A_25, %dma_start3A_26] : memref<12288x512xi32, #tpu.memory_space<hbm>> -> memref<12288x512xi32, #tpu.memory_space<hbm>>
    tpu.enqueue_indirect_dma source(%dma_start3A_27 : memref<12288x512xi32, #tpu.memory_space<hbm>>) target(%dma_start3A_21 : memref<64x512xi32, #tpu.memory_space<vmem>>) offsets(%dma_start3A_24 : memref<64xi32, #tpu.memory_space<vmem>>) semaphore(%arg8 : memref<!tpu.dma_semaphore, #tpu.memory_space<semaphore_mem>>)
    %dma_wait3A = arith.constant 0 : i32
    %dma_wait3A_28 = arith.constant 0 : i32
    %dma_wait3A_29 = arith.constant 0 : i32
    %dma_wait3A_30 = arith.constant 0 : i32
    %dma_wait3A_31 = tpu.memref_slice %arg6[%dma_wait3A_28, %dma_wait3A_29, %dma_wait3A_30] : memref<3x64x512xi32, #tpu.memory_space<vmem>> -> memref<1x64x512xi32, #tpu.memory_space<vmem>>
    %dma_wait3A_32 = tpu.memref_squeeze %dma_wait3A_31 : memref<1x64x512xi32, #tpu.memory_space<vmem>> -> memref<64x512xi32, #tpu.memory_space<vmem>>
    %dma_wait3A_33 = arith.constant 0 : i32
    %dma_wait3A_34 = tpu.memref_slice %arg5[%dma_wait3A, %dma_wait3A_33] : memref<4x64xi32, #tpu.memory_space<vmem>> -> memref<1x64xi32, #tpu.memory_space<vmem>>
    %dma_wait3A_35 = tpu.memref_squeeze %dma_wait3A_34 : memref<1x64xi32, #tpu.memory_space<vmem>> -> memref<64xi32, #tpu.memory_space<vmem>>
    %dma_wait3A_36 = arith.constant 0 : i32
    %dma_wait3A_37 = arith.constant 0 : i32
    %dma_wait3A_38 = tpu.memref_slice %arg2[%dma_wait3A_36, %dma_wait3A_37] : memref<12288x512xi32, #tpu.memory_space<hbm>> -> memref<12288x512xi32, #tpu.memory_space<hbm>>
    tpu.wait_indirect_dma semaphore(%arg7 : memref<!tpu.dma_semaphore, #tpu.memory_space<semaphore_mem>>) src(%dma_wait3A_38 : memref<12288x512xi32, #tpu.memory_space<hbm>>) dst(%dma_wait3A_32 : memref<64x512xi32, #tpu.memory_space<vmem>>)
    %add3A_39 = arith.constant 0 : i32
    %add3A_40 = arith.addi %mul3A_4, %add3A_39 : i32
    %dma_start3A_41 = arith.constant 0 : i32
    %dma_start3A_42 = arith.constant 0 : i32
    %dma_start3A_43 = arith.constant 0 : i32
    %dma_start3A_44 = tpu.memref_slice %arg6[%dma_start3A_41, %dma_start3A_42, %dma_start3A_43] : memref<3x64x512xi32, #tpu.memory_space<vmem>> -> memref<1x64x512xi32, #tpu.memory_space<vmem>>
    %dma_start3A_45 = tpu.memref_squeeze %dma_start3A_44 : memref<1x64x512xi32, #tpu.memory_space<vmem>> -> memref<64x512xi32, #tpu.memory_space<vmem>>
    %dma_start3A_46 = arith.constant 0 : i32
    %dma_start3A_47 = tpu.memref_slice %arg4[%add3A_40, %dma_start3A_46] : memref<8192x512xi32, #tpu.memory_space<hbm>> -> memref<64x512xi32, #tpu.memory_space<hbm>>
    %dma_start3A_48 = arith.constant 0 : i32
    %dma_start3A_49 = tpu.memref_slice %arg4[%add3A_40, %dma_start3A_48] : memref<8192x512xi32, #tpu.memory_space<hbm>> -> memref<64x512xi32, #tpu.memory_space<hbm>>
    %dma_start3A_50 = arith.constant 0 : i32
    %dma_start3A_51 = arith.constant 0 : i32
    %dma_start3A_52 = tpu.memref_slice %arg6[%dma_start3A_41, %dma_start3A_50, %dma_start3A_51] : memref<3x64x512xi32, #tpu.memory_space<vmem>> -> memref<1x64x512xi32, #tpu.memory_space<vmem>>
    %dma_start3A_53 = tpu.memref_squeeze %dma_start3A_52 : memref<1x64x512xi32, #tpu.memory_space<vmem>> -> memref<64x512xi32, #tpu.memory_space<vmem>>
    tpu.enqueue_dma source(%dma_start3A_53 : memref<64x512xi32, #tpu.memory_space<vmem>>) target(%dma_start3A_49 : memref<64x512xi32, #tpu.memory_space<hbm>>) target_semaphore(%arg10 : memref<!tpu.dma_semaphore, #tpu.memory_space<semaphore_mem>>)
    %dma_start3A_54 = arith.constant 2 : i32
    %dma_start3A_55 = arith.constant 2 : i32
    %dma_start3A_56 = arith.constant 0 : i32
    %dma_start3A_57 = arith.constant 0 : i32
    %dma_start3A_58 = tpu.memref_slice %arg6[%dma_start3A_55, %dma_start3A_56, %dma_start3A_57] : memref<3x64x512xi32, #tpu.memory_space<vmem>> -> memref<1x64x512xi32, #tpu.memory_space<vmem>>
    %dma_start3A_59 = tpu.memref_squeeze %dma_start3A_58 : memref<1x64x512xi32, #tpu.memory_space<vmem>> -> memref<64x512xi32, #tpu.memory_space<vmem>>
    %dma_start3A_60 = arith.constant 0 : i32
    %dma_start3A_61 = tpu.memref_slice %arg5[%dma_start3A_54, %dma_start3A_60] : memref<4x64xi32, #tpu.memory_space<vmem>> -> memref<1x64xi32, #tpu.memory_space<vmem>>
    %dma_start3A_62 = tpu.memref_squeeze %dma_start3A_61 : memref<1x64xi32, #tpu.memory_space<vmem>> -> memref<64xi32, #tpu.memory_space<vmem>>
    %dma_start3A_63 = arith.constant 0 : i32
    %dma_start3A_64 = arith.constant 0 : i32
    %dma_start3A_65 = tpu.memref_slice %arg2[%dma_start3A_63, %dma_start3A_64] : memref<12288x512xi32, #tpu.memory_space<hbm>> -> memref<12288x512xi32, #tpu.memory_space<hbm>>
    tpu.enqueue_indirect_dma source(%dma_start3A_65 : memref<12288x512xi32, #tpu.memory_space<hbm>>) target(%dma_start3A_59 : memref<64x512xi32, #tpu.memory_space<vmem>>) offsets(%dma_start3A_62 : memref<64xi32, #tpu.memory_space<vmem>>) semaphore(%arg9 : memref<!tpu.dma_semaphore, #tpu.memory_space<semaphore_mem>>)
    %dma_wait3A_66 = arith.constant 1 : i32
    %dma_wait3A_67 = arith.constant 1 : i32
    %dma_wait3A_68 = arith.constant 0 : i32
    %dma_wait3A_69 = arith.constant 0 : i32
    %dma_wait3A_70 = tpu.memref_slice %arg6[%dma_wait3A_67, %dma_wait3A_68, %dma_wait3A_69] : memref<3x64x512xi32, #tpu.memory_space<vmem>> -> memref<1x64x512xi32, #tpu.memory_space<vmem>>
    %dma_wait3A_71 = tpu.memref_squeeze %dma_wait3A_70 : memref<1x64x512xi32, #tpu.memory_space<vmem>> -> memref<64x512xi32, #tpu.memory_space<vmem>>
    %dma_wait3A_72 = arith.constant 0 : i32
    %dma_wait3A_73 = tpu.memref_slice %arg5[%dma_wait3A_66, %dma_wait3A_72] : memref<4x64xi32, #tpu.memory_space<vmem>> -> memref<1x64xi32, #tpu.memory_space<vmem>>
    %dma_wait3A_74 = tpu.memref_squeeze %dma_wait3A_73 : memref<1x64xi32, #tpu.memory_space<vmem>> -> memref<64xi32, #tpu.memory_space<vmem>>
    %dma_wait3A_75 = arith.constant 0 : i32
    %dma_wait3A_76 = arith.constant 0 : i32
    %dma_wait3A_77 = tpu.memref_slice %arg2[%dma_wait3A_75, %dma_wait3A_76] : memref<12288x512xi32, #tpu.memory_space<hbm>> -> memref<12288x512xi32, #tpu.memory_space<hbm>>
    tpu.wait_indirect_dma semaphore(%arg8 : memref<!tpu.dma_semaphore, #tpu.memory_space<semaphore_mem>>) src(%dma_wait3A_77 : memref<12288x512xi32, #tpu.memory_space<hbm>>) dst(%dma_wait3A_71 : memref<64x512xi32, #tpu.memory_space<vmem>>)
    %add3A_78 = arith.constant 64 : i32
    %add3A_79 = arith.addi %mul3A_4, %add3A_78 : i32
    %dma_start3A_80 = arith.constant 1 : i32
    %dma_start3A_81 = arith.constant 0 : i32
    %dma_start3A_82 = arith.constant 0 : i32
    %dma_start3A_83 = tpu.memref_slice %arg6[%dma_start3A_80, %dma_start3A_81, %dma_start3A_82] : memref<3x64x512xi32, #tpu.memory_space<vmem>> -> memref<1x64x512xi32, #tpu.memory_space<vmem>>
    %dma_start3A_84 = tpu.memref_squeeze %dma_start3A_83 : memref<1x64x512xi32, #tpu.memory_space<vmem>> -> memref<64x512xi32, #tpu.memory_space<vmem>>
    %dma_start3A_85 = arith.constant 0 : i32
    %dma_start3A_86 = tpu.memref_slice %arg4[%add3A_79, %dma_start3A_85] : memref<8192x512xi32, #tpu.memory_space<hbm>> -> memref<64x512xi32, #tpu.memory_space<hbm>>
    %dma_start3A_87 = arith.constant 0 : i32
    %dma_start3A_88 = tpu.memref_slice %arg4[%add3A_79, %dma_start3A_87] : memref<8192x512xi32, #tpu.memory_space<hbm>> -> memref<64x512xi32, #tpu.memory_space<hbm>>
    %dma_start3A_89 = arith.constant 0 : i32
    %dma_start3A_90 = arith.constant 0 : i32
    %dma_start3A_91 = tpu.memref_slice %arg6[%dma_start3A_80, %dma_start3A_89, %dma_start3A_90] : memref<3x64x512xi32, #tpu.memory_space<vmem>> -> memref<1x64x512xi32, #tpu.memory_space<vmem>>
    %dma_start3A_92 = tpu.memref_squeeze %dma_start3A_91 : memref<1x64x512xi32, #tpu.memory_space<vmem>> -> memref<64x512xi32, #tpu.memory_space<vmem>>
    tpu.enqueue_dma source(%dma_start3A_92 : memref<64x512xi32, #tpu.memory_space<vmem>>) target(%dma_start3A_88 : memref<64x512xi32, #tpu.memory_space<hbm>>) target_semaphore(%arg11 : memref<!tpu.dma_semaphore, #tpu.memory_space<semaphore_mem>>)
    %dma_wait3A_93 = arith.constant 0 : i32
    %dma_wait3A_94 = arith.constant 0 : i32
    %dma_wait3A_95 = arith.constant 0 : i32
    %dma_wait3A_96 = tpu.memref_slice %arg6[%dma_wait3A_93, %dma_wait3A_94, %dma_wait3A_95] : memref<3x64x512xi32, #tpu.memory_space<vmem>> -> memref<1x64x512xi32, #tpu.memory_space<vmem>>
    %dma_wait3A_97 = tpu.memref_squeeze %dma_wait3A_96 : memref<1x64x512xi32, #tpu.memory_space<vmem>> -> memref<64x512xi32, #tpu.memory_space<vmem>>
    %dma_wait3A_98 = arith.constant 0 : i32
    %dma_wait3A_99 = tpu.memref_slice %arg4[%add3A_40, %dma_wait3A_98] : memref<8192x512xi32, #tpu.memory_space<hbm>> -> memref<64x512xi32, #tpu.memory_space<hbm>>
    %dma_wait3A_100 = arith.constant 0 : i32
    %dma_wait3A_101 = tpu.memref_slice %arg4[%add3A_40, %dma_wait3A_100] : memref<8192x512xi32, #tpu.memory_space<hbm>> -> memref<64x512xi32, #tpu.memory_space<hbm>>
    %dma_wait3A_102 = arith.constant 0 : i32
    %dma_wait3A_103 = arith.constant 0 : i32
    %dma_wait3A_104 = tpu.memref_slice %arg6[%dma_wait3A_93, %dma_wait3A_102, %dma_wait3A_103] : memref<3x64x512xi32, #tpu.memory_space<vmem>> -> memref<1x64x512xi32, #tpu.memory_space<vmem>>
    %dma_wait3A_105 = tpu.memref_squeeze %dma_wait3A_104 : memref<1x64x512xi32, #tpu.memory_space<vmem>> -> memref<64x512xi32, #tpu.memory_space<vmem>>
    tpu.wait_dma2 semaphore(%arg10 : memref<!tpu.dma_semaphore, #tpu.memory_space<semaphore_mem>>) src(%dma_wait3A_105 : memref<64x512xi32, #tpu.memory_space<vmem>>) dst(%dma_wait3A_101 : memref<64x512xi32, #tpu.memory_space<hbm>>)
    %dma_start3A_106 = arith.constant 3 : i32
    %dma_start3A_107 = arith.constant 0 : i32
    %dma_start3A_108 = arith.constant 0 : i32
    %dma_start3A_109 = arith.constant 0 : i32
    %dma_start3A_110 = tpu.memref_slice %arg6[%dma_start3A_107, %dma_start3A_108, %dma_start3A_109] : memref<3x64x512xi32, #tpu.memory_space<vmem>> -> memref<1x64x512xi32, #tpu.memory_space<vmem>>
    %dma_start3A_111 = tpu.memref_squeeze %dma_start3A_110 : memref<1x64x512xi32, #tpu.memory_space<vmem>> -> memref<64x512xi32, #tpu.memory_space<vmem>>
    %dma_start3A_112 = arith.constant 0 : i32
    %dma_start3A_113 = tpu.memref_slice %arg5[%dma_start3A_106, %dma_start3A_112] : memref<4x64xi32, #tpu.memory_space<vmem>> -> memref<1x64xi32, #tpu.memory_space<vmem>>
    %dma_start3A_114 = tpu.memref_squeeze %dma_start3A_113 : memref<1x64xi32, #tpu.memory_space<vmem>> -> memref<64xi32, #tpu.memory_space<vmem>>
    %dma_start3A_115 = arith.constant 0 : i32
    %dma_start3A_116 = arith.constant 0 : i32
    %dma_start3A_117 = tpu.memref_slice %arg2[%dma_start3A_115, %dma_start3A_116] : memref<12288x512xi32, #tpu.memory_space<hbm>> -> memref<12288x512xi32, #tpu.memory_space<hbm>>
    tpu.enqueue_indirect_dma source(%dma_start3A_117 : memref<12288x512xi32, #tpu.memory_space<hbm>>) target(%dma_start3A_111 : memref<64x512xi32, #tpu.memory_space<vmem>>) offsets(%dma_start3A_114 : memref<64xi32, #tpu.memory_space<vmem>>) semaphore(%arg7 : memref<!tpu.dma_semaphore, #tpu.memory_space<semaphore_mem>>)
    %dma_wait3A_118 = arith.constant 2 : i32
    %dma_wait3A_119 = arith.constant 2 : i32
    %dma_wait3A_120 = arith.constant 0 : i32
    %dma_wait3A_121 = arith.constant 0 : i32
    %dma_wait3A_122 = tpu.memref_slice %arg6[%dma_wait3A_119, %dma_wait3A_120, %dma_wait3A_121] : memref<3x64x512xi32, #tpu.memory_space<vmem>> -> memref<1x64x512xi32, #tpu.memory_space<vmem>>
    %dma_wait3A_123 = tpu.memref_squeeze %dma_wait3A_122 : memref<1x64x512xi32, #tpu.memory_space<vmem>> -> memref<64x512xi32, #tpu.memory_space<vmem>>
    %dma_wait3A_124 = arith.constant 0 : i32
    %dma_wait3A_125 = tpu.memref_slice %arg5[%dma_wait3A_118, %dma_wait3A_124] : memref<4x64xi32, #tpu.memory_space<vmem>> -> memref<1x64xi32, #tpu.memory_space<vmem>>
    %dma_wait3A_126 = tpu.memref_squeeze %dma_wait3A_125 : memref<1x64xi32, #tpu.memory_space<vmem>> -> memref<64xi32, #tpu.memory_space<vmem>>
    %dma_wait3A_127 = arith.constant 0 : i32
    %dma_wait3A_128 = arith.constant 0 : i32
    %dma_wait3A_129 = tpu.memref_slice %arg2[%dma_wait3A_127, %dma_wait3A_128] : memref<12288x512xi32, #tpu.memory_space<hbm>> -> memref<12288x512xi32, #tpu.memory_space<hbm>>
    tpu.wait_indirect_dma semaphore(%arg9 : memref<!tpu.dma_semaphore, #tpu.memory_space<semaphore_mem>>) src(%dma_wait3A_129 : memref<12288x512xi32, #tpu.memory_space<hbm>>) dst(%dma_wait3A_123 : memref<64x512xi32, #tpu.memory_space<vmem>>)
    %add3A_130 = arith.constant 128 : i32
    %add3A_131 = arith.addi %mul3A_4, %add3A_130 : i32
    %dma_start3A_132 = arith.constant 2 : i32
    %dma_start3A_133 = arith.constant 0 : i32
    %dma_start3A_134 = arith.constant 0 : i32
    %dma_start3A_135 = tpu.memref_slice %arg6[%dma_start3A_132, %dma_start3A_133, %dma_start3A_134] : memref<3x64x512xi32, #tpu.memory_space<vmem>> -> memref<1x64x512xi32, #tpu.memory_space<vmem>>
    %dma_start3A_136 = tpu.memref_squeeze %dma_start3A_135 : memref<1x64x512xi32, #tpu.memory_space<vmem>> -> memref<64x512xi32, #tpu.memory_space<vmem>>
    %dma_start3A_137 = arith.constant 0 : i32
    %dma_start3A_138 = tpu.memref_slice %arg4[%add3A_131, %dma_start3A_137] : memref<8192x512xi32, #tpu.memory_space<hbm>> -> memref<64x512xi32, #tpu.memory_space<hbm>>
    %dma_start3A_139 = arith.constant 0 : i32
    %dma_start3A_140 = tpu.memref_slice %arg4[%add3A_131, %dma_start3A_139] : memref<8192x512xi32, #tpu.memory_space<hbm>> -> memref<64x512xi32, #tpu.memory_space<hbm>>
    %dma_start3A_141 = arith.constant 0 : i32
    %dma_start3A_142 = arith.constant 0 : i32
    %dma_start3A_143 = tpu.memref_slice %arg6[%dma_start3A_132, %dma_start3A_141, %dma_start3A_142] : memref<3x64x512xi32, #tpu.memory_space<vmem>> -> memref<1x64x512xi32, #tpu.memory_space<vmem>>
    %dma_start3A_144 = tpu.memref_squeeze %dma_start3A_143 : memref<1x64x512xi32, #tpu.memory_space<vmem>> -> memref<64x512xi32, #tpu.memory_space<vmem>>
    tpu.enqueue_dma source(%dma_start3A_144 : memref<64x512xi32, #tpu.memory_space<vmem>>) target(%dma_start3A_140 : memref<64x512xi32, #tpu.memory_space<hbm>>) target_semaphore(%arg12 : memref<!tpu.dma_semaphore, #tpu.memory_space<semaphore_mem>>)
    %dma_wait3A_145 = arith.constant 1 : i32
    %dma_wait3A_146 = arith.constant 0 : i32
    %dma_wait3A_147 = arith.constant 0 : i32
    %dma_wait3A_148 = tpu.memref_slice %arg6[%dma_wait3A_145, %dma_wait3A_146, %dma_wait3A_147] : memref<3x64x512xi32, #tpu.memory_space<vmem>> -> memref<1x64x512xi32, #tpu.memory_space<vmem>>
    %dma_wait3A_149 = tpu.memref_squeeze %dma_wait3A_148 : memref<1x64x512xi32, #tpu.memory_space<vmem>> -> memref<64x512xi32, #tpu.memory_space<vmem>>
    %dma_wait3A_150 = arith.constant 0 : i32
    %dma_wait3A_151 = tpu.memref_slice %arg4[%add3A_79, %dma_wait3A_150] : memref<8192x512xi32, #tpu.memory_space<hbm>> -> memref<64x512xi32, #tpu.memory_space<hbm>>
    %dma_wait3A_152 = arith.constant 0 : i32
    %dma_wait3A_153 = tpu.memref_slice %arg4[%add3A_79, %dma_wait3A_152] : memref<8192x512xi32, #tpu.memory_space<hbm>> -> memref<64x512xi32, #tpu.memory_space<hbm>>
    %dma_wait3A_154 = arith.constant 0 : i32
    %dma_wait3A_155 = arith.constant 0 : i32
    %dma_wait3A_156 = tpu.memref_slice %arg6[%dma_wait3A_145, %dma_wait3A_154, %dma_wait3A_155] : memref<3x64x512xi32, #tpu.memory_space<vmem>> -> memref<1x64x512xi32, #tpu.memory_space<vmem>>
    %dma_wait3A_157 = tpu.memref_squeeze %dma_wait3A_156 : memref<1x64x512xi32, #tpu.memory_space<vmem>> -> memref<64x512xi32, #tpu.memory_space<vmem>>
    tpu.wait_dma2 semaphore(%arg11 : memref<!tpu.dma_semaphore, #tpu.memory_space<semaphore_mem>>) src(%dma_wait3A_157 : memref<64x512xi32, #tpu.memory_space<vmem>>) dst(%dma_wait3A_153 : memref<64x512xi32, #tpu.memory_space<hbm>>)
    %dma_wait3A_158 = arith.constant 3 : i32
    %dma_wait3A_159 = arith.constant 0 : i32
    %dma_wait3A_160 = arith.constant 0 : i32
    %dma_wait3A_161 = arith.constant 0 : i32
    %dma_wait3A_162 = tpu.memref_slice %arg6[%dma_wait3A_159, %dma_wait3A_160, %dma_wait3A_161] : memref<3x64x512xi32, #tpu.memory_space<vmem>> -> memref<1x64x512xi32, #tpu.memory_space<vmem>>
    %dma_wait3A_163 = tpu.memref_squeeze %dma_wait3A_162 : memref<1x64x512xi32, #tpu.memory_space<vmem>> -> memref<64x512xi32, #tpu.memory_space<vmem>>
    %dma_wait3A_164 = arith.constant 0 : i32
    %dma_wait3A_165 = tpu.memref_slice %arg5[%dma_wait3A_158, %dma_wait3A_164] : memref<4x64xi32, #tpu.memory_space<vmem>> -> memref<1x64xi32, #tpu.memory_space<vmem>>
    %dma_wait3A_166 = tpu.memref_squeeze %dma_wait3A_165 : memref<1x64xi32, #tpu.memory_space<vmem>> -> memref<64xi32, #tpu.memory_space<vmem>>
    %dma_wait3A_167 = arith.constant 0 : i32
    %dma_wait3A_168 = arith.constant 0 : i32
    %dma_wait3A_169 = tpu.memref_slice %arg2[%dma_wait3A_167, %dma_wait3A_168] : memref<12288x512xi32, #tpu.memory_space<hbm>> -> memref<12288x512xi32, #tpu.memory_space<hbm>>
    tpu.wait_indirect_dma semaphore(%arg7 : memref<!tpu.dma_semaphore, #tpu.memory_space<semaphore_mem>>) src(%dma_wait3A_169 : memref<12288x512xi32, #tpu.memory_space<hbm>>) dst(%dma_wait3A_163 : memref<64x512xi32, #tpu.memory_space<vmem>>)
    %add3A_170 = arith.constant 192 : i32
    %add3A_171 = arith.addi %mul3A_4, %add3A_170 : i32
    %dma_start3A_172 = arith.constant 0 : i32
    %dma_start3A_173 = arith.constant 0 : i32
    %dma_start3A_174 = arith.constant 0 : i32
    %dma_start3A_175 = tpu.memref_slice %arg6[%dma_start3A_172, %dma_start3A_173, %dma_start3A_174] : memref<3x64x512xi32, #tpu.memory_space<vmem>> -> memref<1x64x512xi32, #tpu.memory_space<vmem>>
    %dma_start3A_176 = tpu.memref_squeeze %dma_start3A_175 : memref<1x64x512xi32, #tpu.memory_space<vmem>> -> memref<64x512xi32, #tpu.memory_space<vmem>>
    %dma_start3A_177 = arith.constant 0 : i32
    %dma_start3A_178 = tpu.memref_slice %arg4[%add3A_171, %dma_start3A_177] : memref<8192x512xi32, #tpu.memory_space<hbm>> -> memref<64x512xi32, #tpu.memory_space<hbm>>
    %dma_start3A_179 = arith.constant 0 : i32
    %dma_start3A_180 = tpu.memref_slice %arg4[%add3A_171, %dma_start3A_179] : memref<8192x512xi32, #tpu.memory_space<hbm>> -> memref<64x512xi32, #tpu.memory_space<hbm>>
    %dma_start3A_181 = arith.constant 0 : i32
    %dma_start3A_182 = arith.constant 0 : i32
    %dma_start3A_183 = tpu.memref_slice %arg6[%dma_start3A_172, %dma_start3A_181, %dma_start3A_182] : memref<3x64x512xi32, #tpu.memory_space<vmem>> -> memref<1x64x512xi32, #tpu.memory_space<vmem>>
    %dma_start3A_184 = tpu.memref_squeeze %dma_start3A_183 : memref<1x64x512xi32, #tpu.memory_space<vmem>> -> memref<64x512xi32, #tpu.memory_space<vmem>>
    tpu.enqueue_dma source(%dma_start3A_184 : memref<64x512xi32, #tpu.memory_space<vmem>>) target(%dma_start3A_180 : memref<64x512xi32, #tpu.memory_space<hbm>>) target_semaphore(%arg10 : memref<!tpu.dma_semaphore, #tpu.memory_space<semaphore_mem>>)
    %dma_wait3A_185 = arith.constant 2 : i32
    %dma_wait3A_186 = arith.constant 0 : i32
    %dma_wait3A_187 = arith.constant 0 : i32
    %dma_wait3A_188 = tpu.memref_slice %arg6[%dma_wait3A_185, %dma_wait3A_186, %dma_wait3A_187] : memref<3x64x512xi32, #tpu.memory_space<vmem>> -> memref<1x64x512xi32, #tpu.memory_space<vmem>>
    %dma_wait3A_189 = tpu.memref_squeeze %dma_wait3A_188 : memref<1x64x512xi32, #tpu.memory_space<vmem>> -> memref<64x512xi32, #tpu.memory_space<vmem>>
    %dma_wait3A_190 = arith.constant 0 : i32
    %dma_wait3A_191 = tpu.memref_slice %arg4[%add3A_131, %dma_wait3A_190] : memref<8192x512xi32, #tpu.memory_space<hbm>> -> memref<64x512xi32, #tpu.memory_space<hbm>>
    %dma_wait3A_192 = arith.constant 0 : i32
    %dma_wait3A_193 = tpu.memref_slice %arg4[%add3A_131, %dma_wait3A_192] : memref<8192x512xi32, #tpu.memory_space<hbm>> -> memref<64x512xi32, #tpu.memory_space<hbm>>
    %dma_wait3A_194 = arith.constant 0 : i32
    %dma_wait3A_195 = arith.constant 0 : i32
    %dma_wait3A_196 = tpu.memref_slice %arg6[%dma_wait3A_185, %dma_wait3A_194, %dma_wait3A_195] : memref<3x64x512xi32, #tpu.memory_space<vmem>> -> memref<1x64x512xi32, #tpu.memory_space<vmem>>
    %dma_wait3A_197 = tpu.memref_squeeze %dma_wait3A_196 : memref<1x64x512xi32, #tpu.memory_space<vmem>> -> memref<64x512xi32, #tpu.memory_space<vmem>>
    tpu.wait_dma2 semaphore(%arg12 : memref<!tpu.dma_semaphore, #tpu.memory_space<semaphore_mem>>) src(%dma_wait3A_197 : memref<64x512xi32, #tpu.memory_space<vmem>>) dst(%dma_wait3A_193 : memref<64x512xi32, #tpu.memory_space<hbm>>)
    %dma_wait3A_198 = arith.constant 0 : i32
    %dma_wait3A_199 = arith.constant 0 : i32
    %dma_wait3A_200 = arith.constant 0 : i32
    %dma_wait3A_201 = tpu.memref_slice %arg6[%dma_wait3A_198, %dma_wait3A_199, %dma_wait3A_200] : memref<3x64x512xi32, #tpu.memory_space<vmem>> -> memref<1x64x512xi32, #tpu.memory_space<vmem>>
    %dma_wait3A_202 = tpu.memref_squeeze %dma_wait3A_201 : memref<1x64x512xi32, #tpu.memory_space<vmem>> -> memref<64x512xi32, #tpu.memory_space<vmem>>
    %dma_wait3A_203 = arith.constant 0 : i32
    %dma_wait3A_204 = tpu.memref_slice %arg4[%add3A_171, %dma_wait3A_203] : memref<8192x512xi32, #tpu.memory_space<hbm>> -> memref<64x512xi32, #tpu.memory_space<hbm>>
    %dma_wait3A_205 = arith.constant 0 : i32
    %dma_wait3A_206 = tpu.memref_slice %arg4[%add3A_171, %dma_wait3A_205] : memref<8192x512xi32, #tpu.memory_space<hbm>> -> memref<64x512xi32, #tpu.memory_space<hbm>>
    %dma_wait3A_207 = arith.constant 0 : i32
    %dma_wait3A_208 = arith.constant 0 : i32
    %dma_wait3A_209 = tpu.memref_slice %arg6[%dma_wait3A_198, %dma_wait3A_207, %dma_wait3A_208] : memref<3x64x512xi32, #tpu.memory_space<vmem>> -> memref<1x64x512xi32, #tpu.memory_space<vmem>>
    %dma_wait3A_210 = tpu.memref_squeeze %dma_wait3A_209 : memref<1x64x512xi32, #tpu.memory_space<vmem>> -> memref<64x512xi32, #tpu.memory_space<vmem>>
    tpu.wait_dma2 semaphore(%arg10 : memref<!tpu.dma_semaphore, #tpu.memory_space<semaphore_mem>>) src(%dma_wait3A_210 : memref<64x512xi32, #tpu.memory_space<vmem>>) dst(%dma_wait3A_206 : memref<64x512xi32, #tpu.memory_space<hbm>>)
    return
  }
}

#map = affine_map<(d0, d1) -> (0, 0)>
module attributes {stable_mosaic.version = 14 : i64} {
  func.func @sc_scatter(%arg0: i32, %arg1: i32, %arg2: memref<128x64xi32, #tpu.memory_space<hbm>>, %arg3: memref<4096x512xi32, #tpu.memory_space<hbm>>, %arg4: memref<12288x512xi32, #tpu.memory_space<hbm>>, %arg5: memref<4x64xi32, #tpu.memory_space<vmem>>, %arg6: memref<3x64x512xi32, #tpu.memory_space<vmem>>, %arg7: memref<!tpu.dma_semaphore, #tpu.memory_space<semaphore_mem>>, %arg8: memref<!tpu.dma_semaphore, #tpu.memory_space<semaphore_mem>>, %arg9: memref<!tpu.dma_semaphore, #tpu.memory_space<semaphore_mem>>, %arg10: memref<!tpu.dma_semaphore, #tpu.memory_space<semaphore_mem>>, %arg11: memref<!tpu.dma_semaphore, #tpu.memory_space<semaphore_mem>>, %arg12: memref<!tpu.dma_semaphore, #tpu.memory_space<semaphore_mem>>) attributes {dimension_semantics = [#tpu.dimension_semantics<core_parallel>, #tpu.dimension_semantics<subcore_parallel>], iteration_bounds = array<i64: 2, 16>, scalar_prefetch = 0 : i64, scratch_operands = 8 : i64, tpu.core_type = #tpu.core_type<sc_vector_subcore>, window_params = [{transform_indices = #map}, {transform_indices = #map}, {transform_indices = #map}]} {
    %mul3A = arith.constant 2 : i32
    %mul3A_0 = arith.muli %arg1, %mul3A : i32
    %add3A = arith.addi %mul3A_0, %arg0 : i32
    %mul3A_1 = arith.constant 4 : i32
    %mul3A_2 = arith.muli %add3A, %mul3A_1 : i32
    "tpu.region"() ({
      %run_scoped3A = tpu.sem_alloc : memref<!tpu.dma_semaphore, #tpu.memory_space<semaphore_mem>>
      %dma_start3A_210 = arith.constant 0 : i32
      %dma_start3A_211 = tpu.memref_slice %arg2[%mul3A_2, %dma_start3A_210] : memref<128x64xi32, #tpu.memory_space<hbm>> -> memref<4x64xi32, #tpu.memory_space<hbm>>
      %dma_start3A_212 = arith.constant 0 : i32
      %dma_start3A_213 = tpu.memref_slice %arg2[%mul3A_2, %dma_start3A_212] : memref<128x64xi32, #tpu.memory_space<hbm>> -> memref<4x64xi32, #tpu.memory_space<hbm>>
      tpu.enqueue_dma source(%dma_start3A_213 : memref<4x64xi32, #tpu.memory_space<hbm>>) target(%arg5 : memref<4x64xi32, #tpu.memory_space<vmem>>) target_semaphore(%run_scoped3A : memref<!tpu.dma_semaphore, #tpu.memory_space<semaphore_mem>>)
      %dma_wait3A_214 = arith.constant 0 : i32
      %dma_wait3A_215 = tpu.memref_slice %arg2[%mul3A_2, %dma_wait3A_214] : memref<128x64xi32, #tpu.memory_space<hbm>> -> memref<4x64xi32, #tpu.memory_space<hbm>>
      %dma_wait3A_216 = arith.constant 0 : i32
      %dma_wait3A_217 = tpu.memref_slice %arg2[%mul3A_2, %dma_wait3A_216] : memref<128x64xi32, #tpu.memory_space<hbm>> -> memref<4x64xi32, #tpu.memory_space<hbm>>
      tpu.wait_dma2 semaphore(%run_scoped3A : memref<!tpu.dma_semaphore, #tpu.memory_space<semaphore_mem>>) src(%dma_wait3A_217 : memref<4x64xi32, #tpu.memory_space<hbm>>) dst(%arg5 : memref<4x64xi32, #tpu.memory_space<vmem>>)
      tpu.yield
    }) : () -> ()
    %rem3A = arith.constant 16 : i32
    %rem3A_3 = arith.remsi %add3A, %rem3A : i32
    %mul3A_4 = arith.constant 256 : i32
    %mul3A_5 = arith.muli %rem3A_3, %mul3A_4 : i32
    %dma_start3A = arith.constant 0 : i32
    %dma_start3A_6 = arith.constant 0 : i32
    %dma_start3A_7 = arith.constant 0 : i32
    %dma_start3A_8 = tpu.memref_slice %arg6[%dma_start3A, %dma_start3A_6, %dma_start3A_7] : memref<3x64x512xi32, #tpu.memory_space<vmem>> -> memref<1x64x512xi32, #tpu.memory_space<vmem>>
    %dma_start3A_9 = tpu.memref_squeeze %dma_start3A_8 : memref<1x64x512xi32, #tpu.memory_space<vmem>> -> memref<64x512xi32, #tpu.memory_space<vmem>>
    %dma_start3A_10 = arith.constant 0 : i32
    %dma_start3A_11 = tpu.memref_slice %arg3[%mul3A_5, %dma_start3A_10] : memref<4096x512xi32, #tpu.memory_space<hbm>> -> memref<64x512xi32, #tpu.memory_space<hbm>>
    %dma_start3A_12 = arith.constant 0 : i32
    %dma_start3A_13 = arith.constant 0 : i32
    %dma_start3A_14 = tpu.memref_slice %arg6[%dma_start3A, %dma_start3A_12, %dma_start3A_13] : memref<3x64x512xi32, #tpu.memory_space<vmem>> -> memref<1x64x512xi32, #tpu.memory_space<vmem>>
    %dma_start3A_15 = tpu.memref_squeeze %dma_start3A_14 : memref<1x64x512xi32, #tpu.memory_space<vmem>> -> memref<64x512xi32, #tpu.memory_space<vmem>>
    %dma_start3A_16 = arith.constant 0 : i32
    %dma_start3A_17 = tpu.memref_slice %arg3[%mul3A_5, %dma_start3A_16] : memref<4096x512xi32, #tpu.memory_space<hbm>> -> memref<64x512xi32, #tpu.memory_space<hbm>>
    tpu.enqueue_dma source(%dma_start3A_17 : memref<64x512xi32, #tpu.memory_space<hbm>>) target(%dma_start3A_15 : memref<64x512xi32, #tpu.memory_space<vmem>>) target_semaphore(%arg7 : memref<!tpu.dma_semaphore, #tpu.memory_space<semaphore_mem>>)
    %add3A_18 = arith.constant 64 : i32
    %add3A_19 = arith.addi %mul3A_5, %add3A_18 : i32
    %dma_start3A_20 = arith.constant 1 : i32
    %dma_start3A_21 = arith.constant 0 : i32
    %dma_start3A_22 = arith.constant 0 : i32
    %dma_start3A_23 = tpu.memref_slice %arg6[%dma_start3A_20, %dma_start3A_21, %dma_start3A_22] : memref<3x64x512xi32, #tpu.memory_space<vmem>> -> memref<1x64x512xi32, #tpu.memory_space<vmem>>
    %dma_start3A_24 = tpu.memref_squeeze %dma_start3A_23 : memref<1x64x512xi32, #tpu.memory_space<vmem>> -> memref<64x512xi32, #tpu.memory_space<vmem>>
    %dma_start3A_25 = arith.constant 0 : i32
    %dma_start3A_26 = tpu.memref_slice %arg3[%add3A_19, %dma_start3A_25] : memref<4096x512xi32, #tpu.memory_space<hbm>> -> memref<64x512xi32, #tpu.memory_space<hbm>>
    %dma_start3A_27 = arith.constant 0 : i32
    %dma_start3A_28 = arith.constant 0 : i32
    %dma_start3A_29 = tpu.memref_slice %arg6[%dma_start3A_20, %dma_start3A_27, %dma_start3A_28] : memref<3x64x512xi32, #tpu.memory_space<vmem>> -> memref<1x64x512xi32, #tpu.memory_space<vmem>>
    %dma_start3A_30 = tpu.memref_squeeze %dma_start3A_29 : memref<1x64x512xi32, #tpu.memory_space<vmem>> -> memref<64x512xi32, #tpu.memory_space<vmem>>
    %dma_start3A_31 = arith.constant 0 : i32
    %dma_start3A_32 = tpu.memref_slice %arg3[%add3A_19, %dma_start3A_31] : memref<4096x512xi32, #tpu.memory_space<hbm>> -> memref<64x512xi32, #tpu.memory_space<hbm>>
    tpu.enqueue_dma source(%dma_start3A_32 : memref<64x512xi32, #tpu.memory_space<hbm>>) target(%dma_start3A_30 : memref<64x512xi32, #tpu.memory_space<vmem>>) target_semaphore(%arg8 : memref<!tpu.dma_semaphore, #tpu.memory_space<semaphore_mem>>)
    %dma_wait3A = arith.constant 0 : i32
    %dma_wait3A_33 = arith.constant 0 : i32
    %dma_wait3A_34 = arith.constant 0 : i32
    %dma_wait3A_35 = tpu.memref_slice %arg6[%dma_wait3A, %dma_wait3A_33, %dma_wait3A_34] : memref<3x64x512xi32, #tpu.memory_space<vmem>> -> memref<1x64x512xi32, #tpu.memory_space<vmem>>
    %dma_wait3A_36 = tpu.memref_squeeze %dma_wait3A_35 : memref<1x64x512xi32, #tpu.memory_space<vmem>> -> memref<64x512xi32, #tpu.memory_space<vmem>>
    %dma_wait3A_37 = arith.constant 0 : i32
    %dma_wait3A_38 = tpu.memref_slice %arg3[%mul3A_5, %dma_wait3A_37] : memref<4096x512xi32, #tpu.memory_space<hbm>> -> memref<64x512xi32, #tpu.memory_space<hbm>>
    %dma_wait3A_39 = arith.constant 0 : i32
    %dma_wait3A_40 = arith.constant 0 : i32
    %dma_wait3A_41 = tpu.memref_slice %arg6[%dma_wait3A, %dma_wait3A_39, %dma_wait3A_40] : memref<3x64x512xi32, #tpu.memory_space<vmem>> -> memref<1x64x512xi32, #tpu.memory_space<vmem>>
    %dma_wait3A_42 = tpu.memref_squeeze %dma_wait3A_41 : memref<1x64x512xi32, #tpu.memory_space<vmem>> -> memref<64x512xi32, #tpu.memory_space<vmem>>
    %dma_wait3A_43 = arith.constant 0 : i32
    %dma_wait3A_44 = tpu.memref_slice %arg3[%mul3A_5, %dma_wait3A_43] : memref<4096x512xi32, #tpu.memory_space<hbm>> -> memref<64x512xi32, #tpu.memory_space<hbm>>
    tpu.wait_dma2 semaphore(%arg7 : memref<!tpu.dma_semaphore, #tpu.memory_space<semaphore_mem>>) src(%dma_wait3A_44 : memref<64x512xi32, #tpu.memory_space<hbm>>) dst(%dma_wait3A_42 : memref<64x512xi32, #tpu.memory_space<vmem>>)
    %dma_start3A_45 = arith.constant 0 : i32
    %dma_start3A_46 = arith.constant 0 : i32
    %dma_start3A_47 = arith.constant 0 : i32
    %dma_start3A_48 = arith.constant 0 : i32
    %dma_start3A_49 = tpu.memref_slice %arg6[%dma_start3A_45, %dma_start3A_47, %dma_start3A_48] : memref<3x64x512xi32, #tpu.memory_space<vmem>> -> memref<1x64x512xi32, #tpu.memory_space<vmem>>
    %dma_start3A_50 = tpu.memref_squeeze %dma_start3A_49 : memref<1x64x512xi32, #tpu.memory_space<vmem>> -> memref<64x512xi32, #tpu.memory_space<vmem>>
    %dma_start3A_51 = arith.constant 0 : i32
    %dma_start3A_52 = tpu.memref_slice %arg5[%dma_start3A_46, %dma_start3A_51] : memref<4x64xi32, #tpu.memory_space<vmem>> -> memref<1x64xi32, #tpu.memory_space<vmem>>
    %dma_start3A_53 = tpu.memref_squeeze %dma_start3A_52 : memref<1x64xi32, #tpu.memory_space<vmem>> -> memref<64xi32, #tpu.memory_space<vmem>>
    %dma_start3A_54 = arith.constant 0 : i32
    %dma_start3A_55 = arith.constant 0 : i32
    %dma_start3A_56 = tpu.memref_slice %arg4[%dma_start3A_54, %dma_start3A_55] : memref<12288x512xi32, #tpu.memory_space<hbm>> -> memref<12288x512xi32, #tpu.memory_space<hbm>>
    tpu.enqueue_indirect_dma source(%dma_start3A_50 : memref<64x512xi32, #tpu.memory_space<vmem>>) target(%dma_start3A_56 : memref<12288x512xi32, #tpu.memory_space<hbm>>) offsets(%dma_start3A_53 : memref<64xi32, #tpu.memory_space<vmem>>) semaphore(%arg10 : memref<!tpu.dma_semaphore, #tpu.memory_space<semaphore_mem>>)
    %add3A_57 = arith.constant 128 : i32
    %add3A_58 = arith.addi %mul3A_5, %add3A_57 : i32
    %dma_start3A_59 = arith.constant 2 : i32
    %dma_start3A_60 = arith.constant 0 : i32
    %dma_start3A_61 = arith.constant 0 : i32
    %dma_start3A_62 = tpu.memref_slice %arg6[%dma_start3A_59, %dma_start3A_60, %dma_start3A_61] : memref<3x64x512xi32, #tpu.memory_space<vmem>> -> memref<1x64x512xi32, #tpu.memory_space<vmem>>
    %dma_start3A_63 = tpu.memref_squeeze %dma_start3A_62 : memref<1x64x512xi32, #tpu.memory_space<vmem>> -> memref<64x512xi32, #tpu.memory_space<vmem>>
    %dma_start3A_64 = arith.constant 0 : i32
    %dma_start3A_65 = tpu.memref_slice %arg3[%add3A_58, %dma_start3A_64] : memref<4096x512xi32, #tpu.memory_space<hbm>> -> memref<64x512xi32, #tpu.memory_space<hbm>>
    %dma_start3A_66 = arith.constant 0 : i32
    %dma_start3A_67 = arith.constant 0 : i32
    %dma_start3A_68 = tpu.memref_slice %arg6[%dma_start3A_59, %dma_start3A_66, %dma_start3A_67] : memref<3x64x512xi32, #tpu.memory_space<vmem>> -> memref<1x64x512xi32, #tpu.memory_space<vmem>>
    %dma_start3A_69 = tpu.memref_squeeze %dma_start3A_68 : memref<1x64x512xi32, #tpu.memory_space<vmem>> -> memref<64x512xi32, #tpu.memory_space<vmem>>
    %dma_start3A_70 = arith.constant 0 : i32
    %dma_start3A_71 = tpu.memref_slice %arg3[%add3A_58, %dma_start3A_70] : memref<4096x512xi32, #tpu.memory_space<hbm>> -> memref<64x512xi32, #tpu.memory_space<hbm>>
    tpu.enqueue_dma source(%dma_start3A_71 : memref<64x512xi32, #tpu.memory_space<hbm>>) target(%dma_start3A_69 : memref<64x512xi32, #tpu.memory_space<vmem>>) target_semaphore(%arg9 : memref<!tpu.dma_semaphore, #tpu.memory_space<semaphore_mem>>)
    %dma_wait3A_72 = arith.constant 1 : i32
    %dma_wait3A_73 = arith.constant 0 : i32
    %dma_wait3A_74 = arith.constant 0 : i32
    %dma_wait3A_75 = tpu.memref_slice %arg6[%dma_wait3A_72, %dma_wait3A_73, %dma_wait3A_74] : memref<3x64x512xi32, #tpu.memory_space<vmem>> -> memref<1x64x512xi32, #tpu.memory_space<vmem>>
    %dma_wait3A_76 = tpu.memref_squeeze %dma_wait3A_75 : memref<1x64x512xi32, #tpu.memory_space<vmem>> -> memref<64x512xi32, #tpu.memory_space<vmem>>
    %dma_wait3A_77 = arith.constant 0 : i32
    %dma_wait3A_78 = tpu.memref_slice %arg3[%add3A_19, %dma_wait3A_77] : memref<4096x512xi32, #tpu.memory_space<hbm>> -> memref<64x512xi32, #tpu.memory_space<hbm>>
    %dma_wait3A_79 = arith.constant 0 : i32
    %dma_wait3A_80 = arith.constant 0 : i32
    %dma_wait3A_81 = tpu.memref_slice %arg6[%dma_wait3A_72, %dma_wait3A_79, %dma_wait3A_80] : memref<3x64x512xi32, #tpu.memory_space<vmem>> -> memref<1x64x512xi32, #tpu.memory_space<vmem>>
    %dma_wait3A_82 = tpu.memref_squeeze %dma_wait3A_81 : memref<1x64x512xi32, #tpu.memory_space<vmem>> -> memref<64x512xi32, #tpu.memory_space<vmem>>
    %dma_wait3A_83 = arith.constant 0 : i32
    %dma_wait3A_84 = tpu.memref_slice %arg3[%add3A_19, %dma_wait3A_83] : memref<4096x512xi32, #tpu.memory_space<hbm>> -> memref<64x512xi32, #tpu.memory_space<hbm>>
    tpu.wait_dma2 semaphore(%arg8 : memref<!tpu.dma_semaphore, #tpu.memory_space<semaphore_mem>>) src(%dma_wait3A_84 : memref<64x512xi32, #tpu.memory_space<hbm>>) dst(%dma_wait3A_82 : memref<64x512xi32, #tpu.memory_space<vmem>>)
    %dma_start3A_85 = arith.constant 1 : i32
    %dma_start3A_86 = arith.constant 1 : i32
    %dma_start3A_87 = arith.constant 0 : i32
    %dma_start3A_88 = arith.constant 0 : i32
    %dma_start3A_89 = tpu.memref_slice %arg6[%dma_start3A_85, %dma_start3A_87, %dma_start3A_88] : memref<3x64x512xi32, #tpu.memory_space<vmem>> -> memref<1x64x512xi32, #tpu.memory_space<vmem>>
    %dma_start3A_90 = tpu.memref_squeeze %dma_start3A_89 : memref<1x64x512xi32, #tpu.memory_space<vmem>> -> memref<64x512xi32, #tpu.memory_space<vmem>>
    %dma_start3A_91 = arith.constant 0 : i32
    %dma_start3A_92 = tpu.memref_slice %arg5[%dma_start3A_86, %dma_start3A_91] : memref<4x64xi32, #tpu.memory_space<vmem>> -> memref<1x64xi32, #tpu.memory_space<vmem>>
    %dma_start3A_93 = tpu.memref_squeeze %dma_start3A_92 : memref<1x64xi32, #tpu.memory_space<vmem>> -> memref<64xi32, #tpu.memory_space<vmem>>
    %dma_start3A_94 = arith.constant 0 : i32
    %dma_start3A_95 = arith.constant 0 : i32
    %dma_start3A_96 = tpu.memref_slice %arg4[%dma_start3A_94, %dma_start3A_95] : memref<12288x512xi32, #tpu.memory_space<hbm>> -> memref<12288x512xi32, #tpu.memory_space<hbm>>
    tpu.enqueue_indirect_dma source(%dma_start3A_90 : memref<64x512xi32, #tpu.memory_space<vmem>>) target(%dma_start3A_96 : memref<12288x512xi32, #tpu.memory_space<hbm>>) offsets(%dma_start3A_93 : memref<64xi32, #tpu.memory_space<vmem>>) semaphore(%arg11 : memref<!tpu.dma_semaphore, #tpu.memory_space<semaphore_mem>>)
    %dma_wait3A_97 = arith.constant 0 : i32
    %dma_wait3A_98 = arith.constant 0 : i32
    %dma_wait3A_99 = arith.constant 0 : i32
    %dma_wait3A_100 = arith.constant 0 : i32
    %dma_wait3A_101 = tpu.memref_slice %arg6[%dma_wait3A_97, %dma_wait3A_99, %dma_wait3A_100] : memref<3x64x512xi32, #tpu.memory_space<vmem>> -> memref<1x64x512xi32, #tpu.memory_space<vmem>>
    %dma_wait3A_102 = tpu.memref_squeeze %dma_wait3A_101 : memref<1x64x512xi32, #tpu.memory_space<vmem>> -> memref<64x512xi32, #tpu.memory_space<vmem>>
    %dma_wait3A_103 = arith.constant 0 : i32
    %dma_wait3A_104 = tpu.memref_slice %arg5[%dma_wait3A_98, %dma_wait3A_103] : memref<4x64xi32, #tpu.memory_space<vmem>> -> memref<1x64xi32, #tpu.memory_space<vmem>>
    %dma_wait3A_105 = tpu.memref_squeeze %dma_wait3A_104 : memref<1x64xi32, #tpu.memory_space<vmem>> -> memref<64xi32, #tpu.memory_space<vmem>>
    %dma_wait3A_106 = arith.constant 0 : i32
    %dma_wait3A_107 = arith.constant 0 : i32
    %dma_wait3A_108 = tpu.memref_slice %arg4[%dma_wait3A_106, %dma_wait3A_107] : memref<12288x512xi32, #tpu.memory_space<hbm>> -> memref<12288x512xi32, #tpu.memory_space<hbm>>
    tpu.wait_indirect_dma semaphore(%arg10 : memref<!tpu.dma_semaphore, #tpu.memory_space<semaphore_mem>>) src(%dma_wait3A_102 : memref<64x512xi32, #tpu.memory_space<vmem>>) dst(%dma_wait3A_108 : memref<12288x512xi32, #tpu.memory_space<hbm>>)
    %add3A_109 = arith.constant 192 : i32
    %add3A_110 = arith.addi %mul3A_5, %add3A_109 : i32
    %dma_start3A_111 = arith.constant 0 : i32
    %dma_start3A_112 = arith.constant 0 : i32
    %dma_start3A_113 = arith.constant 0 : i32
    %dma_start3A_114 = tpu.memref_slice %arg6[%dma_start3A_111, %dma_start3A_112, %dma_start3A_113] : memref<3x64x512xi32, #tpu.memory_space<vmem>> -> memref<1x64x512xi32, #tpu.memory_space<vmem>>
    %dma_start3A_115 = tpu.memref_squeeze %dma_start3A_114 : memref<1x64x512xi32, #tpu.memory_space<vmem>> -> memref<64x512xi32, #tpu.memory_space<vmem>>
    %dma_start3A_116 = arith.constant 0 : i32
    %dma_start3A_117 = tpu.memref_slice %arg3[%add3A_110, %dma_start3A_116] : memref<4096x512xi32, #tpu.memory_space<hbm>> -> memref<64x512xi32, #tpu.memory_space<hbm>>
    %dma_start3A_118 = arith.constant 0 : i32
    %dma_start3A_119 = arith.constant 0 : i32
    %dma_start3A_120 = tpu.memref_slice %arg6[%dma_start3A_111, %dma_start3A_118, %dma_start3A_119] : memref<3x64x512xi32, #tpu.memory_space<vmem>> -> memref<1x64x512xi32, #tpu.memory_space<vmem>>
    %dma_start3A_121 = tpu.memref_squeeze %dma_start3A_120 : memref<1x64x512xi32, #tpu.memory_space<vmem>> -> memref<64x512xi32, #tpu.memory_space<vmem>>
    %dma_start3A_122 = arith.constant 0 : i32
    %dma_start3A_123 = tpu.memref_slice %arg3[%add3A_110, %dma_start3A_122] : memref<4096x512xi32, #tpu.memory_space<hbm>> -> memref<64x512xi32, #tpu.memory_space<hbm>>
    tpu.enqueue_dma source(%dma_start3A_123 : memref<64x512xi32, #tpu.memory_space<hbm>>) target(%dma_start3A_121 : memref<64x512xi32, #tpu.memory_space<vmem>>) target_semaphore(%arg7 : memref<!tpu.dma_semaphore, #tpu.memory_space<semaphore_mem>>)
    %dma_wait3A_124 = arith.constant 2 : i32
    %dma_wait3A_125 = arith.constant 0 : i32
    %dma_wait3A_126 = arith.constant 0 : i32
    %dma_wait3A_127 = tpu.memref_slice %arg6[%dma_wait3A_124, %dma_wait3A_125, %dma_wait3A_126] : memref<3x64x512xi32, #tpu.memory_space<vmem>> -> memref<1x64x512xi32, #tpu.memory_space<vmem>>
    %dma_wait3A_128 = tpu.memref_squeeze %dma_wait3A_127 : memref<1x64x512xi32, #tpu.memory_space<vmem>> -> memref<64x512xi32, #tpu.memory_space<vmem>>
    %dma_wait3A_129 = arith.constant 0 : i32
    %dma_wait3A_130 = tpu.memref_slice %arg3[%add3A_58, %dma_wait3A_129] : memref<4096x512xi32, #tpu.memory_space<hbm>> -> memref<64x512xi32, #tpu.memory_space<hbm>>
    %dma_wait3A_131 = arith.constant 0 : i32
    %dma_wait3A_132 = arith.constant 0 : i32
    %dma_wait3A_133 = tpu.memref_slice %arg6[%dma_wait3A_124, %dma_wait3A_131, %dma_wait3A_132] : memref<3x64x512xi32, #tpu.memory_space<vmem>> -> memref<1x64x512xi32, #tpu.memory_space<vmem>>
    %dma_wait3A_134 = tpu.memref_squeeze %dma_wait3A_133 : memref<1x64x512xi32, #tpu.memory_space<vmem>> -> memref<64x512xi32, #tpu.memory_space<vmem>>
    %dma_wait3A_135 = arith.constant 0 : i32
    %dma_wait3A_136 = tpu.memref_slice %arg3[%add3A_58, %dma_wait3A_135] : memref<4096x512xi32, #tpu.memory_space<hbm>> -> memref<64x512xi32, #tpu.memory_space<hbm>>
    tpu.wait_dma2 semaphore(%arg9 : memref<!tpu.dma_semaphore, #tpu.memory_space<semaphore_mem>>) src(%dma_wait3A_136 : memref<64x512xi32, #tpu.memory_space<hbm>>) dst(%dma_wait3A_134 : memref<64x512xi32, #tpu.memory_space<vmem>>)
    %dma_start3A_137 = arith.constant 2 : i32
    %dma_start3A_138 = arith.constant 2 : i32
    %dma_start3A_139 = arith.constant 0 : i32
    %dma_start3A_140 = arith.constant 0 : i32
    %dma_start3A_141 = tpu.memref_slice %arg6[%dma_start3A_137, %dma_start3A_139, %dma_start3A_140] : memref<3x64x512xi32, #tpu.memory_space<vmem>> -> memref<1x64x512xi32, #tpu.memory_space<vmem>>
    %dma_start3A_142 = tpu.memref_squeeze %dma_start3A_141 : memref<1x64x512xi32, #tpu.memory_space<vmem>> -> memref<64x512xi32, #tpu.memory_space<vmem>>
    %dma_start3A_143 = arith.constant 0 : i32
    %dma_start3A_144 = tpu.memref_slice %arg5[%dma_start3A_138, %dma_start3A_143] : memref<4x64xi32, #tpu.memory_space<vmem>> -> memref<1x64xi32, #tpu.memory_space<vmem>>
    %dma_start3A_145 = tpu.memref_squeeze %dma_start3A_144 : memref<1x64xi32, #tpu.memory_space<vmem>> -> memref<64xi32, #tpu.memory_space<vmem>>
    %dma_start3A_146 = arith.constant 0 : i32
    %dma_start3A_147 = arith.constant 0 : i32
    %dma_start3A_148 = tpu.memref_slice %arg4[%dma_start3A_146, %dma_start3A_147] : memref<12288x512xi32, #tpu.memory_space<hbm>> -> memref<12288x512xi32, #tpu.memory_space<hbm>>
    tpu.enqueue_indirect_dma source(%dma_start3A_142 : memref<64x512xi32, #tpu.memory_space<vmem>>) target(%dma_start3A_148 : memref<12288x512xi32, #tpu.memory_space<hbm>>) offsets(%dma_start3A_145 : memref<64xi32, #tpu.memory_space<vmem>>) semaphore(%arg12 : memref<!tpu.dma_semaphore, #tpu.memory_space<semaphore_mem>>)
    %dma_wait3A_149 = arith.constant 1 : i32
    %dma_wait3A_150 = arith.constant 1 : i32
    %dma_wait3A_151 = arith.constant 0 : i32
    %dma_wait3A_152 = arith.constant 0 : i32
    %dma_wait3A_153 = tpu.memref_slice %arg6[%dma_wait3A_149, %dma_wait3A_151, %dma_wait3A_152] : memref<3x64x512xi32, #tpu.memory_space<vmem>> -> memref<1x64x512xi32, #tpu.memory_space<vmem>>
    %dma_wait3A_154 = tpu.memref_squeeze %dma_wait3A_153 : memref<1x64x512xi32, #tpu.memory_space<vmem>> -> memref<64x512xi32, #tpu.memory_space<vmem>>
    %dma_wait3A_155 = arith.constant 0 : i32
    %dma_wait3A_156 = tpu.memref_slice %arg5[%dma_wait3A_150, %dma_wait3A_155] : memref<4x64xi32, #tpu.memory_space<vmem>> -> memref<1x64xi32, #tpu.memory_space<vmem>>
    %dma_wait3A_157 = tpu.memref_squeeze %dma_wait3A_156 : memref<1x64xi32, #tpu.memory_space<vmem>> -> memref<64xi32, #tpu.memory_space<vmem>>
    %dma_wait3A_158 = arith.constant 0 : i32
    %dma_wait3A_159 = arith.constant 0 : i32
    %dma_wait3A_160 = tpu.memref_slice %arg4[%dma_wait3A_158, %dma_wait3A_159] : memref<12288x512xi32, #tpu.memory_space<hbm>> -> memref<12288x512xi32, #tpu.memory_space<hbm>>
    tpu.wait_indirect_dma semaphore(%arg11 : memref<!tpu.dma_semaphore, #tpu.memory_space<semaphore_mem>>) src(%dma_wait3A_154 : memref<64x512xi32, #tpu.memory_space<vmem>>) dst(%dma_wait3A_160 : memref<12288x512xi32, #tpu.memory_space<hbm>>)
    %dma_wait3A_161 = arith.constant 0 : i32
    %dma_wait3A_162 = arith.constant 0 : i32
    %dma_wait3A_163 = arith.constant 0 : i32
    %dma_wait3A_164 = tpu.memref_slice %arg6[%dma_wait3A_161, %dma_wait3A_162, %dma_wait3A_163] : memref<3x64x512xi32, #tpu.memory_space<vmem>> -> memref<1x64x512xi32, #tpu.memory_space<vmem>>
    %dma_wait3A_165 = tpu.memref_squeeze %dma_wait3A_164 : memref<1x64x512xi32, #tpu.memory_space<vmem>> -> memref<64x512xi32, #tpu.memory_space<vmem>>
    %dma_wait3A_166 = arith.constant 0 : i32
    %dma_wait3A_167 = tpu.memref_slice %arg3[%add3A_110, %dma_wait3A_166] : memref<4096x512xi32, #tpu.memory_space<hbm>> -> memref<64x512xi32, #tpu.memory_space<hbm>>
    %dma_wait3A_168 = arith.constant 0 : i32
    %dma_wait3A_169 = arith.constant 0 : i32
    %dma_wait3A_170 = tpu.memref_slice %arg6[%dma_wait3A_161, %dma_wait3A_168, %dma_wait3A_169] : memref<3x64x512xi32, #tpu.memory_space<vmem>> -> memref<1x64x512xi32, #tpu.memory_space<vmem>>
    %dma_wait3A_171 = tpu.memref_squeeze %dma_wait3A_170 : memref<1x64x512xi32, #tpu.memory_space<vmem>> -> memref<64x512xi32, #tpu.memory_space<vmem>>
    %dma_wait3A_172 = arith.constant 0 : i32
    %dma_wait3A_173 = tpu.memref_slice %arg3[%add3A_110, %dma_wait3A_172] : memref<4096x512xi32, #tpu.memory_space<hbm>> -> memref<64x512xi32, #tpu.memory_space<hbm>>
    tpu.wait_dma2 semaphore(%arg7 : memref<!tpu.dma_semaphore, #tpu.memory_space<semaphore_mem>>) src(%dma_wait3A_173 : memref<64x512xi32, #tpu.memory_space<hbm>>) dst(%dma_wait3A_171 : memref<64x512xi32, #tpu.memory_space<vmem>>)
    %dma_start3A_174 = arith.constant 0 : i32
    %dma_start3A_175 = arith.constant 3 : i32
    %dma_start3A_176 = arith.constant 0 : i32
    %dma_start3A_177 = arith.constant 0 : i32
    %dma_start3A_178 = tpu.memref_slice %arg6[%dma_start3A_174, %dma_start3A_176, %dma_start3A_177] : memref<3x64x512xi32, #tpu.memory_space<vmem>> -> memref<1x64x512xi32, #tpu.memory_space<vmem>>
    %dma_start3A_179 = tpu.memref_squeeze %dma_start3A_178 : memref<1x64x512xi32, #tpu.memory_space<vmem>> -> memref<64x512xi32, #tpu.memory_space<vmem>>
    %dma_start3A_180 = arith.constant 0 : i32
    %dma_start3A_181 = tpu.memref_slice %arg5[%dma_start3A_175, %dma_start3A_180] : memref<4x64xi32, #tpu.memory_space<vmem>> -> memref<1x64xi32, #tpu.memory_space<vmem>>
    %dma_start3A_182 = tpu.memref_squeeze %dma_start3A_181 : memref<1x64xi32, #tpu.memory_space<vmem>> -> memref<64xi32, #tpu.memory_space<vmem>>
    %dma_start3A_183 = arith.constant 0 : i32
    %dma_start3A_184 = arith.constant 0 : i32
    %dma_start3A_185 = tpu.memref_slice %arg4[%dma_start3A_183, %dma_start3A_184] : memref<12288x512xi32, #tpu.memory_space<hbm>> -> memref<12288x512xi32, #tpu.memory_space<hbm>>
    tpu.enqueue_indirect_dma source(%dma_start3A_179 : memref<64x512xi32, #tpu.memory_space<vmem>>) target(%dma_start3A_185 : memref<12288x512xi32, #tpu.memory_space<hbm>>) offsets(%dma_start3A_182 : memref<64xi32, #tpu.memory_space<vmem>>) semaphore(%arg10 : memref<!tpu.dma_semaphore, #tpu.memory_space<semaphore_mem>>)
    %dma_wait3A_186 = arith.constant 2 : i32
    %dma_wait3A_187 = arith.constant 2 : i32
    %dma_wait3A_188 = arith.constant 0 : i32
    %dma_wait3A_189 = arith.constant 0 : i32
    %dma_wait3A_190 = tpu.memref_slice %arg6[%dma_wait3A_186, %dma_wait3A_188, %dma_wait3A_189] : memref<3x64x512xi32, #tpu.memory_space<vmem>> -> memref<1x64x512xi32, #tpu.memory_space<vmem>>
    %dma_wait3A_191 = tpu.memref_squeeze %dma_wait3A_190 : memref<1x64x512xi32, #tpu.memory_space<vmem>> -> memref<64x512xi32, #tpu.memory_space<vmem>>
    %dma_wait3A_192 = arith.constant 0 : i32
    %dma_wait3A_193 = tpu.memref_slice %arg5[%dma_wait3A_187, %dma_wait3A_192] : memref<4x64xi32, #tpu.memory_space<vmem>> -> memref<1x64xi32, #tpu.memory_space<vmem>>
    %dma_wait3A_194 = tpu.memref_squeeze %dma_wait3A_193 : memref<1x64xi32, #tpu.memory_space<vmem>> -> memref<64xi32, #tpu.memory_space<vmem>>
    %dma_wait3A_195 = arith.constant 0 : i32
    %dma_wait3A_196 = arith.constant 0 : i32
    %dma_wait3A_197 = tpu.memref_slice %arg4[%dma_wait3A_195, %dma_wait3A_196] : memref<12288x512xi32, #tpu.memory_space<hbm>> -> memref<12288x512xi32, #tpu.memory_space<hbm>>
    tpu.wait_indirect_dma semaphore(%arg12 : memref<!tpu.dma_semaphore, #tpu.memory_space<semaphore_mem>>) src(%dma_wait3A_191 : memref<64x512xi32, #tpu.memory_space<vmem>>) dst(%dma_wait3A_197 : memref<12288x512xi32, #tpu.memory_space<hbm>>)
    %dma_wait3A_198 = arith.constant 0 : i32
    %dma_wait3A_199 = arith.constant 3 : i32
    %dma_wait3A_200 = arith.constant 0 : i32
    %dma_wait3A_201 = arith.constant 0 : i32
    %dma_wait3A_202 = tpu.memref_slice %arg6[%dma_wait3A_198, %dma_wait3A_200, %dma_wait3A_201] : memref<3x64x512xi32, #tpu.memory_space<vmem>> -> memref<1x64x512xi32, #tpu.memory_space<vmem>>
    %dma_wait3A_203 = tpu.memref_squeeze %dma_wait3A_202 : memref<1x64x512xi32, #tpu.memory_space<vmem>> -> memref<64x512xi32, #tpu.memory_space<vmem>>
    %dma_wait3A_204 = arith.constant 0 : i32
    %dma_wait3A_205 = tpu.memref_slice %arg5[%dma_wait3A_199, %dma_wait3A_204] : memref<4x64xi32, #tpu.memory_space<vmem>> -> memref<1x64xi32, #tpu.memory_space<vmem>>
    %dma_wait3A_206 = tpu.memref_squeeze %dma_wait3A_205 : memref<1x64xi32, #tpu.memory_space<vmem>> -> memref<64xi32, #tpu.memory_space<vmem>>
    %dma_wait3A_207 = arith.constant 0 : i32
    %dma_wait3A_208 = arith.constant 0 : i32
    %dma_wait3A_209 = tpu.memref_slice %arg4[%dma_wait3A_207, %dma_wait3A_208] : memref<12288x512xi32, #tpu.memory_space<hbm>> -> memref<12288x512xi32, #tpu.memory_space<hbm>>
    tpu.wait_indirect_dma semaphore(%arg10 : memref<!tpu.dma_semaphore, #tpu.memory_space<semaphore_mem>>) src(%dma_wait3A_203 : memref<64x512xi32, #tpu.memory_space<vmem>>) dst(%dma_wait3A_209 : memref<12288x512xi32, #tpu.memory_space<hbm>>)
    return
  }
}

module attributes {stable_mosaic.version = 14 : i64} {
  func.func @_route_body(%arg0: memref<4096x1024xf32, #tpu.memory_space<vmem>>, %arg1: memref<1024x8xf32, #tpu.memory_space<vmem>>, %arg2: memref<8192x1xi32, #tpu.memory_space<vmem>>, %arg3: memref<24x1xi32, #tpu.memory_space<vmem>>, %arg4: memref<4096x1xf32, #tpu.memory_space<vmem>>, %arg5: memref<4096x1xf32, #tpu.memory_space<vmem>>, %arg6: memref<4096x512xi32, #tpu.memory_space<vmem>>, %arg7: memref<4096x8xf32, #tpu.memory_space<vmem>>, %arg8: memref<4096x8xf32, #tpu.memory_space<vmem>>) attributes {dimension_semantics = [], scalar_prefetch = 0 : i64, scratch_operands = 2 : i64, tpu.core_type = #tpu.core_type<tc>} {
    %get3A = arith.constant 0 : index
    %get3A_0 = arith.constant 0 : index
    %get3A_1 = vector.load %arg0[%get3A, %get3A_0] : memref<4096x1024xf32, #tpu.memory_space<vmem>>, vector<4096x1024xf32>
    %get3A_2 = arith.constant 0 : index
    %get3A_3 = arith.constant 0 : index
    %get3A_4 = vector.load %arg1[%get3A_2, %get3A_3] : memref<1024x8xf32, #tpu.memory_space<vmem>>, vector<1024x8xf32>
    %dot_general3A = arith.constant dense<0.000000e+00> : vector<4096x8xf32>
    %dot_general3A_5 = tpu.matmul %get3A_1, %get3A_4, %dot_general3A {dimension_numbers = #tpu.dot_dimension_numbers<[1], [0], [0], [1], [0, 0, 1, 1], [], []>, transpose_lhs_hint = false} : vector<4096x1024xf32>, vector<1024x8xf32>, vector<4096x8xf32> -> vector<4096x8xf32>
    %reduce_max3A = arith.constant dense<0xFF800000> : vector<4096xf32>
    %reduce_max3A_6 = vector.multi_reduction <maximumf>, %dot_general3A_5, %reduce_max3A [1] : vector<4096x8xf32> to vector<4096xf32>
    %broadcast_in_dim3A = vector.shape_cast %reduce_max3A_6 : vector<4096xf32> to vector<4096x1xf32>
    %sub3A = vector.broadcast %broadcast_in_dim3A : vector<4096x1xf32> to vector<4096x8xf32>
    %sub3A_7 = arith.subf %dot_general3A_5, %sub3A : vector<4096x8xf32>
    %exp3A = math.exp %sub3A_7 : vector<4096x8xf32>
    %reduce_sum3A = arith.constant dense<0.000000e+00> : vector<4096xf32>
    %reduce_sum3A_8 = vector.multi_reduction <add>, %exp3A, %reduce_sum3A [1] : vector<4096x8xf32> to vector<4096xf32>
    %broadcast_in_dim3A_9 = vector.shape_cast %reduce_sum3A_8 : vector<4096xf32> to vector<4096x1xf32>
    %div3A = vector.broadcast %broadcast_in_dim3A_9 : vector<4096x1xf32> to vector<4096x8xf32>
    %div3A_10 = arith.divf %exp3A, %div3A : vector<4096x8xf32>
    %iota3A = tpu.iota {dimensions = array<i32: 1>} : vector<4096x8xi32>
    %argmax3A = tpu.reduce_index %div3A_10 {axis = 1 : i32, kind = #tpu.reduction_kind<arg_max>} : vector<4096x8xf32> -> vector<4096xi32>
    %broadcast_in_dim3A_11 = vector.shape_cast %argmax3A : vector<4096xi32> to vector<4096x1xi32>
    %eq3A = vector.broadcast %broadcast_in_dim3A_11 : vector<4096x1xi32> to vector<4096x8xi32>
    %eq3A_12 = arith.cmpi eq, %iota3A, %eq3A : vector<4096x8xi32>
    %convert_element_type3A = arith.extui %eq3A_12 : vector<4096x8xi1> to vector<4096x8xi32>
    %convert_element_type3A_13 = arith.sitofp %convert_element_type3A : vector<4096x8xi32> to vector<4096x8xf32>
    %reduce_max3A_14 = arith.constant dense<0xFF800000> : vector<4096xf32>
    %reduce_max3A_15 = vector.multi_reduction <maximumf>, %div3A_10, %reduce_max3A_14 [1] : vector<4096x8xf32> to vector<4096xf32>
    %gt3A = arith.constant 0.000000e+00 : f32
    %gt3A_16 = vector.broadcast %gt3A : f32 to vector<4096x8xf32>
    %gt3A_17 = arith.cmpf ogt, %convert_element_type3A_13, %gt3A_16 : vector<4096x8xf32>
    %jit3A = arith.constant 0xFF800000 : f32
    %broadcast_in_dim3A_18 = vector.broadcast %jit3A : f32 to vector<4096x8xf32>
    %select_n3A = arith.select %gt3A_17, %broadcast_in_dim3A_18, %div3A_10 : vector<4096x8xi1>, vector<4096x8xf32>
    %argmax3A_19 = tpu.reduce_index %select_n3A {axis = 1 : i32, kind = #tpu.reduction_kind<arg_max>} : vector<4096x8xf32> -> vector<4096xi32>
    %broadcast_in_dim3A_20 = vector.shape_cast %argmax3A_19 : vector<4096xi32> to vector<4096x1xi32>
    %eq3A_21 = vector.broadcast %broadcast_in_dim3A_20 : vector<4096x1xi32> to vector<4096x8xi32>
    %eq3A_22 = arith.cmpi eq, %iota3A, %eq3A_21 : vector<4096x8xi32>
    %convert_element_type3A_23 = arith.extui %eq3A_22 : vector<4096x8xi1> to vector<4096x8xi32>
    %convert_element_type3A_24 = arith.sitofp %convert_element_type3A_23 : vector<4096x8xi32> to vector<4096x8xf32>
    %reduce_max3A_25 = arith.constant dense<0xFF800000> : vector<4096xf32>
    %reduce_max3A_26 = vector.multi_reduction <maximumf>, %select_n3A, %reduce_max3A_25 [1] : vector<4096x8xf32> to vector<4096xf32>
    %add3A = arith.addf %reduce_max3A_15, %reduce_max3A_26 : vector<4096xf32>
    %div3A_27 = arith.divf %reduce_max3A_15, %add3A : vector<4096xf32>
    %broadcast_in_dim3A_28 = vector.shape_cast %div3A_27 : vector<4096xf32> to vector<4096x1xf32>
    %swap3A = arith.constant 0 : index
    %swap3A_29 = arith.constant 0 : index
    %swap3A_30 = vector.load %arg4[%swap3A, %swap3A_29] : memref<4096x1xf32, #tpu.memory_space<vmem>>, vector<4096x1xf32>
    tpu.vector_store %arg4[%swap3A, %swap3A_29], %broadcast_in_dim3A_28 {strides = array<i32>} : memref<4096x1xf32, #tpu.memory_space<vmem>>, vector<4096x1xf32>,
    %div3A_31 = arith.divf %reduce_max3A_26, %add3A : vector<4096xf32>
    %broadcast_in_dim3A_32 = vector.shape_cast %div3A_31 : vector<4096xf32> to vector<4096x1xf32>
    %swap3A_33 = arith.constant 0 : index
    %swap3A_34 = arith.constant 0 : index
    %swap3A_35 = vector.load %arg5[%swap3A_33, %swap3A_34] : memref<4096x1xf32, #tpu.memory_space<vmem>>, vector<4096x1xf32>
    tpu.vector_store %arg5[%swap3A_33, %swap3A_34], %broadcast_in_dim3A_32 {strides = array<i32>} : memref<4096x1xf32, #tpu.memory_space<vmem>>, vector<4096x1xf32>,
    %swap3A_36 = arith.constant 0 : index
    %swap3A_37 = arith.constant 0 : index
    %swap3A_38 = vector.load %arg7[%swap3A_36, %swap3A_37] : memref<4096x8xf32, #tpu.memory_space<vmem>>, vector<4096x8xf32>
    tpu.vector_store %arg7[%swap3A_36, %swap3A_37], %convert_element_type3A_13 {strides = array<i32>} : memref<4096x8xf32, #tpu.memory_space<vmem>>, vector<4096x8xf32>,
    %swap3A_39 = arith.constant 0 : index
    %swap3A_40 = arith.constant 0 : index
    %swap3A_41 = vector.load %arg8[%swap3A_39, %swap3A_40] : memref<4096x8xf32, #tpu.memory_space<vmem>>, vector<4096x8xf32>
    tpu.vector_store %arg8[%swap3A_39, %swap3A_40], %convert_element_type3A_24 {strides = array<i32>} : memref<4096x8xf32, #tpu.memory_space<vmem>>, vector<4096x8xf32>,
    %slice3A = vector.extract_strided_slice %get3A_1 {offsets = [0, 0], sizes = [4096, 512], strides = [1, 1]} : vector<4096x1024xf32> to vector<4096x512xf32>
    %slice3A_42 = vector.extract_strided_slice %get3A_1 {offsets = [0, 512], sizes = [4096, 512], strides = [1, 1]} : vector<4096x1024xf32> to vector<4096x512xf32>
    %convert_element_type3A_43 = arith.truncf %slice3A : vector<4096x512xf32> to vector<4096x512xbf16>
    %bitcast_convert_type3A = tpu.bitcast %convert_element_type3A_43 : vector<4096x512xbf16> -> vector<4096x512xi16>
    %convert_element_type3A_44 = arith.truncf %slice3A_42 : vector<4096x512xf32> to vector<4096x512xbf16>
    %bitcast_convert_type3A_45 = tpu.bitcast %convert_element_type3A_44 : vector<4096x512xbf16> -> vector<4096x512xi16>
    %convert_element_type3A_46 = arith.extui %bitcast_convert_type3A : vector<4096x512xi16> to vector<4096x512xi32>
    %convert_element_type3A_47 = arith.extui %bitcast_convert_type3A_45 : vector<4096x512xi16> to vector<4096x512xi32>
    %shift_left3A = arith.constant 16 : i32
    %shift_left3A_48 = vector.broadcast %shift_left3A : i32 to vector<4096x512xi32>
    %shift_left3A_49 = arith.shli %convert_element_type3A_47, %shift_left3A_48 : vector<4096x512xi32>
    %or3A = arith.ori %convert_element_type3A_46, %shift_left3A_49 : vector<4096x512xi32>
    %bitcast_convert_type3A_50 = tpu.bitcast %or3A : vector<4096x512xi32> -> vector<4096x512xi32>
    %swap3A_51 = arith.constant 0 : index
    %swap3A_52 = arith.constant 0 : index
    %swap3A_53 = vector.load %arg6[%swap3A_51, %swap3A_52] : memref<4096x512xi32, #tpu.memory_space<vmem>>, vector<4096x512xi32>
    tpu.vector_store %arg6[%swap3A_51, %swap3A_52], %bitcast_convert_type3A_50 {strides = array<i32>} : memref<4096x512xi32, #tpu.memory_space<vmem>>, vector<4096x512xi32>,
    %iota3A_54 = tpu.iota {dimensions = array<i32: 0>} : vector<512x512xi32>
    %iota3A_55 = tpu.iota {dimensions = array<i32: 1>} : vector<512x512xi32>
    %gt3A_56 = arith.cmpi sgt, %iota3A_54, %iota3A_55 : vector<512x512xi32>
    %convert_element_type3A_57 = arith.extui %gt3A_56 : vector<512x512xi1> to vector<512x512xi32>
    %convert_element_type3A_58 = arith.sitofp %convert_element_type3A_57 : vector<512x512xi32> to vector<512x512xf32>
    %reduce_sum3A_59 = arith.constant dense<0.000000e+00> : vector<8xf32>
    %reduce_sum3A_60 = vector.multi_reduction <add>, %convert_element_type3A_13, %reduce_sum3A_59 [0] : vector<4096x8xf32> to vector<8xf32>
    %broadcast_in_dim3A_61 = vector.shape_cast %reduce_sum3A_60 : vector<8xf32> to vector<1x8xf32>
    %reduce_sum3A_62 = arith.constant dense<0.000000e+00> : vector<8xf32>
    %reduce_sum3A_63 = vector.multi_reduction <add>, %convert_element_type3A_24, %reduce_sum3A_62 [0] : vector<4096x8xf32> to vector<8xf32>
    %broadcast_in_dim3A_64 = vector.shape_cast %reduce_sum3A_63 : vector<8xf32> to vector<1x8xf32>
    %add3A_65 = arith.addf %broadcast_in_dim3A_61, %broadcast_in_dim3A_64 : vector<1x8xf32>
    %add3A_66 = arith.constant 5.110000e+02 : f32
    %add3A_67 = vector.broadcast %add3A_66 : f32 to vector<1x8xf32>
    %add3A_68 = arith.addf %add3A_65, %add3A_67 : vector<1x8xf32>
    %mul3A = arith.constant 0.001953125 : f32
    %mul3A_69 = vector.broadcast %mul3A : f32 to vector<1x8xf32>
    %mul3A_70 = arith.mulf %add3A_68, %mul3A_69 : vector<1x8xf32>
    %floor3A = math.floor %mul3A_70 : vector<1x8xf32>
    %iota3A_71 = tpu.iota {dimensions = array<i32: 0>} : vector<8x8xi32>
    %iota3A_72 = tpu.iota {dimensions = array<i32: 1>} : vector<8x8xi32>
    %lt3A = arith.cmpi slt, %iota3A_71, %iota3A_72 : vector<8x8xi32>
    %convert_element_type3A_73 = arith.extui %lt3A : vector<8x8xi1> to vector<8x8xi32>
    %convert_element_type3A_74 = arith.sitofp %convert_element_type3A_73 : vector<8x8xi32> to vector<8x8xf32>
    %dot_general3A_75 = arith.constant dense<0.000000e+00> : vector<1x8xf32>
    %dot_general3A_76 = tpu.matmul %floor3A, %convert_element_type3A_74, %dot_general3A_75 {dimension_numbers = #tpu.dot_dimension_numbers<[1], [0], [0], [1], [0, 0, 1, 1], [], []>, transpose_lhs_hint = false} : vector<1x8xf32>, vector<8x8xf32>, vector<1x8xf32> -> vector<1x8xf32>
    %mul3A_77 = arith.constant 5.120000e+02 : f32
    %mul3A_78 = vector.broadcast %mul3A_77 : f32 to vector<1x8xf32>
    %mul3A_79 = arith.mulf %dot_general3A_76, %mul3A_78 : vector<1x8xf32>
    %broadcast_in_dim3A_80 = arith.constant 0.000000e+00 : f32
    %broadcast_in_dim3A_81 = vector.broadcast %broadcast_in_dim3A_80 : f32 to vector<1x8xf32>
    %scan3A = arith.constant 0 : i32
    %scan3A_82 = arith.constant 16 : i32
    %scan3A_83 = arith.addi %scan3A, %scan3A_82 : i32
    %scan3A_84 = arith.constant 1 : i32
    %scan3A_85 = scf.for %scan3A_102 = %scan3A to %scan3A_83 step %scan3A_84 iter_args(%scan3A_103 = %broadcast_in_dim3A_81) -> (vector<1x8xf32>)  : i32 {
      %rem3A = arith.constant 8 : i32
      %rem3A_104 = arith.remsi %scan3A_102, %rem3A : i32
      %mul3A_105 = arith.constant 512 : i32
      %mul3A_106 = arith.muli %rem3A_104, %mul3A_105 : i32
      %get3A_107 = arith.index_cast %mul3A_106 : i32 to index
      %get3A_108 = arith.constant 0 : index
      %get3A_109 = vector.load %arg7[%get3A_107, %get3A_108] : memref<4096x8xf32, #tpu.memory_space<vmem>>, vector<512x8xf32>
      %get3A_110 = arith.index_cast %mul3A_106 : i32 to index
      %get3A_111 = arith.constant 0 : index
      %get3A_112 = vector.load %arg8[%get3A_110, %get3A_111] : memref<4096x8xf32, #tpu.memory_space<vmem>>, vector<512x8xf32>
      %lt3A_113 = arith.constant 8 : i32
      %lt3A_114 = arith.cmpi slt, %scan3A_102, %lt3A_113 : i32
      %select_n3A_115 = arith.select %lt3A_114, %get3A_109, %get3A_112 : vector<512x8xf32>
      %dot_general3A_116 = arith.constant dense<0.000000e+00> : vector<512x8xf32>
      %dot_general3A_117 = tpu.matmul %convert_element_type3A_58, %select_n3A_115, %dot_general3A_116 {dimension_numbers = #tpu.dot_dimension_numbers<[1], [0], [0], [1], [0, 0, 1, 1], [], []>, transpose_lhs_hint = false} : vector<512x512xf32>, vector<512x8xf32>, vector<512x8xf32> -> vector<512x8xf32>
      %add3A_118 = vector.broadcast %scan3A_103 : vector<1x8xf32> to vector<512x8xf32>
      %add3A_119 = arith.addf %dot_general3A_117, %add3A_118 : vector<512x8xf32>
      %add3A_120 = vector.broadcast %mul3A_79 : vector<1x8xf32> to vector<512x8xf32>
      %add3A_121 = arith.addf %add3A_119, %add3A_120 : vector<512x8xf32>
      %mul3A_122 = arith.mulf %select_n3A_115, %add3A_121 : vector<512x8xf32>
      %reduce_sum3A_123 = arith.constant dense<0.000000e+00> : vector<512xf32>
      %reduce_sum3A_124 = vector.multi_reduction <add>, %mul3A_122, %reduce_sum3A_123 [1] : vector<512x8xf32> to vector<512xf32>
      %broadcast_in_dim3A_125 = vector.shape_cast %reduce_sum3A_124 : vector<512xf32> to vector<512x1xf32>
      %convert_element_type3A_126 = arith.fptosi %broadcast_in_dim3A_125 : vector<512x1xf32> to vector<512x1xi32>
      %mul3A_127 = arith.constant 512 : i32
      %mul3A_128 = arith.muli %scan3A_102, %mul3A_127 : i32
      %swap3A_129 = arith.index_cast %mul3A_128 : i32 to index
      %swap3A_130 = arith.constant 0 : index
      %swap3A_131 = vector.load %arg2[%swap3A_129, %swap3A_130] : memref<8192x1xi32, #tpu.memory_space<vmem>>, vector<512x1xi32>
      tpu.vector_store %arg2[%swap3A_129, %swap3A_130], %convert_element_type3A_126 {strides = array<i32>} : memref<8192x1xi32, #tpu.memory_space<vmem>>, vector<512x1xi32>,
      %reduce_sum3A_132 = arith.constant dense<0.000000e+00> : vector<8xf32>
      %reduce_sum3A_133 = vector.multi_reduction <add>, %select_n3A_115, %reduce_sum3A_132 [0] : vector<512x8xf32> to vector<8xf32>
      %broadcast_in_dim3A_134 = vector.shape_cast %reduce_sum3A_133 : vector<8xf32> to vector<1x8xf32>
      %add3A_135 = arith.addf %scan3A_103, %broadcast_in_dim3A_134 : vector<1x8xf32>
      scf.yield %add3A_135 : vector<1x8xf32>
    }
    %scan3A_86 = arith.constant 16 : i32
    %iota3A_87 = tpu.iota {dimensions = array<i32: 0>} : vector<24x8xi32>
    %convert_element_type3A_88 = arith.sitofp %iota3A_87 : vector<24x8xi32> to vector<24x8xf32>
    %ge3A = vector.broadcast %dot_general3A_76 : vector<1x8xf32> to vector<24x8xf32>
    %ge3A_89 = arith.cmpf oge, %convert_element_type3A_88, %ge3A : vector<24x8xf32>
    %convert_element_type3A_90 = arith.extui %ge3A_89 : vector<24x8xi1> to vector<24x8xi32>
    %convert_element_type3A_91 = arith.sitofp %convert_element_type3A_90 : vector<24x8xi32> to vector<24x8xf32>
    %reduce_sum3A_92 = arith.constant dense<0.000000e+00> : vector<24xf32>
    %reduce_sum3A_93 = vector.multi_reduction <add>, %convert_element_type3A_91, %reduce_sum3A_92 [1] : vector<24x8xf32> to vector<24xf32>
    %broadcast_in_dim3A_94 = vector.shape_cast %reduce_sum3A_93 : vector<24xf32> to vector<24x1xf32>
    %convert_element_type3A_95 = arith.fptosi %broadcast_in_dim3A_94 : vector<24x1xf32> to vector<24x1xi32>
    %sub3A_96 = arith.constant 1 : i32
    %sub3A_97 = vector.broadcast %sub3A_96 : i32 to vector<24x1xi32>
    %sub3A_98 = arith.subi %convert_element_type3A_95, %sub3A_97 : vector<24x1xi32>
    %swap3A_99 = arith.constant 0 : index
    %swap3A_100 = arith.constant 0 : index
    %swap3A_101 = vector.load %arg3[%swap3A_99, %swap3A_100] : memref<24x1xi32, #tpu.memory_space<vmem>>, vector<24x1xi32>
    tpu.vector_store %arg3[%swap3A_99, %swap3A_100], %sub3A_98 {strides = array<i32>} : memref<24x1xi32, #tpu.memory_space<vmem>>, vector<24x1xi32>,
    return
  }
}

module attributes {stable_mosaic.version = 14 : i64} {
  func.func @_finalize_body(%arg0: i32, %arg1: memref<1024x1xf32, #tpu.memory_space<vmem>>, %arg2: memref<1024x1xf32, #tpu.memory_space<vmem>>, %arg3: memref<1024x512xi32, #tpu.memory_space<vmem>>, %arg4: memref<1024x512xi32, #tpu.memory_space<vmem>>, %arg5: memref<1024x1024xf32, #tpu.memory_space<vmem>>) attributes {dimension_semantics = [#tpu.dimension_semantics<arbitrary>], iteration_bounds = array<i64: 4>, scalar_prefetch = 0 : i64, scratch_operands = 0 : i64, tpu.core_type = #tpu.core_type<tc>, window_params = [{transform_indices = @transform_0, window_bounds = array<i64: 1024, 1>}, {transform_indices = @transform_1, window_bounds = array<i64: 1024, 1>}, {transform_indices = @transform_2, window_bounds = array<i64: 1024, 512>}, {transform_indices = @transform_3, window_bounds = array<i64: 1024, 512>}, {transform_indices = @transform_4, window_bounds = array<i64: 1024, 1024>}]} {
    %get3A = arith.constant 0 : index
    %get3A_0 = arith.constant 0 : index
    %get3A_1 = vector.load %arg3[%get3A, %get3A_0] : memref<1024x512xi32, #tpu.memory_space<vmem>>, vector<1024x512xi32>
    %bitcast_convert_type3A = tpu.bitcast %get3A_1 : vector<1024x512xi32> -> vector<1024x512xi32>
    %and3A = arith.constant 65535 : i32
    %and3A_2 = vector.broadcast %and3A : i32 to vector<1024x512xi32>
    %and3A_3 = arith.andi %bitcast_convert_type3A, %and3A_2 : vector<1024x512xi32>
    %convert_element_type3A = arith.trunci %and3A_3 : vector<1024x512xi32> to vector<1024x512xi16>
    %bitcast_convert_type3A_4 = tpu.bitcast %convert_element_type3A : vector<1024x512xi16> -> vector<1024x512xbf16>
    %shift_right_logical3A = arith.constant 16 : i32
    %shift_right_logical3A_5 = vector.broadcast %shift_right_logical3A : i32 to vector<1024x512xi32>
    %shift_right_logical3A_6 = arith.shrui %bitcast_convert_type3A, %shift_right_logical3A_5 : vector<1024x512xi32>
    %convert_element_type3A_7 = arith.trunci %shift_right_logical3A_6 : vector<1024x512xi32> to vector<1024x512xi16>
    %bitcast_convert_type3A_8 = tpu.bitcast %convert_element_type3A_7 : vector<1024x512xi16> -> vector<1024x512xbf16>
    %concatenate3A = tpu.concatenate %bitcast_convert_type3A_4, %bitcast_convert_type3A_8 in 1 : vector<1024x512xbf16>, vector<1024x512xbf16> -> vector<1024x1024xbf16>
    %convert_element_type3A_9 = arith.extf %concatenate3A : vector<1024x1024xbf16> to vector<1024x1024xf32>
    %get3A_10 = arith.constant 0 : index
    %get3A_11 = arith.constant 0 : index
    %get3A_12 = vector.load %arg4[%get3A_10, %get3A_11] : memref<1024x512xi32, #tpu.memory_space<vmem>>, vector<1024x512xi32>
    %bitcast_convert_type3A_13 = tpu.bitcast %get3A_12 : vector<1024x512xi32> -> vector<1024x512xi32>
    %and3A_14 = arith.constant 65535 : i32
    %and3A_15 = vector.broadcast %and3A_14 : i32 to vector<1024x512xi32>
    %and3A_16 = arith.andi %bitcast_convert_type3A_13, %and3A_15 : vector<1024x512xi32>
    %convert_element_type3A_17 = arith.trunci %and3A_16 : vector<1024x512xi32> to vector<1024x512xi16>
    %bitcast_convert_type3A_18 = tpu.bitcast %convert_element_type3A_17 : vector<1024x512xi16> -> vector<1024x512xbf16>
    %shift_right_logical3A_19 = arith.constant 16 : i32
    %shift_right_logical3A_20 = vector.broadcast %shift_right_logical3A_19 : i32 to vector<1024x512xi32>
    %shift_right_logical3A_21 = arith.shrui %bitcast_convert_type3A_13, %shift_right_logical3A_20 : vector<1024x512xi32>
    %convert_element_type3A_22 = arith.trunci %shift_right_logical3A_21 : vector<1024x512xi32> to vector<1024x512xi16>
    %bitcast_convert_type3A_23 = tpu.bitcast %convert_element_type3A_22 : vector<1024x512xi16> -> vector<1024x512xbf16>
    %concatenate3A_24 = tpu.concatenate %bitcast_convert_type3A_18, %bitcast_convert_type3A_23 in 1 : vector<1024x512xbf16>, vector<1024x512xbf16> -> vector<1024x1024xbf16>
    %convert_element_type3A_25 = arith.extf %concatenate3A_24 : vector<1024x1024xbf16> to vector<1024x1024xf32>
    %get3A_26 = arith.constant 0 : index
    %get3A_27 = arith.constant 0 : index
    %get3A_28 = vector.load %arg1[%get3A_26, %get3A_27] : memref<1024x1xf32, #tpu.memory_space<vmem>>, vector<1024x1xf32>
    %mul3A = vector.broadcast %get3A_28 : vector<1024x1xf32> to vector<1024x1024xf32>
    %mul3A_29 = arith.mulf %mul3A, %convert_element_type3A_9 : vector<1024x1024xf32>
    %get3A_30 = arith.constant 0 : index
    %get3A_31 = arith.constant 0 : index
    %get3A_32 = vector.load %arg2[%get3A_30, %get3A_31] : memref<1024x1xf32, #tpu.memory_space<vmem>>, vector<1024x1xf32>
    %mul3A_33 = vector.broadcast %get3A_32 : vector<1024x1xf32> to vector<1024x1024xf32>
    %mul3A_34 = arith.mulf %mul3A_33, %convert_element_type3A_25 : vector<1024x1024xf32>
    %add3A = arith.addf %mul3A_29, %mul3A_34 : vector<1024x1024xf32>
    %swap3A = arith.constant 0 : index
    %swap3A_35 = arith.constant 0 : index
    %swap3A_36 = vector.load %arg5[%swap3A, %swap3A_35] : memref<1024x1024xf32, #tpu.memory_space<vmem>>, vector<1024x1024xf32>
    tpu.vector_store %arg5[%swap3A, %swap3A_35], %add3A {strides = array<i32>} : memref<1024x1024xf32, #tpu.memory_space<vmem>>, vector<1024x1024xf32>,
    return
  }
  func.func @transform_0(%arg0: i32) -> (i32, i32) {
    %c0_i32 = arith.constant 0 : i32
    %c0_i32_0 = arith.constant 0 : i32
    return %arg0, %c0_i32 : i32, i32
  }
  func.func @transform_1(%arg0: i32) -> (i32, i32) {
    %c0_i32 = arith.constant 0 : i32
    %c0_i32_0 = arith.constant 0 : i32
    return %arg0, %c0_i32 : i32, i32
  }
  func.func @transform_2(%arg0: i32) -> (i32, i32) {
    %c0_i32 = arith.constant 0 : i32
    %c0_i32_0 = arith.constant 0 : i32
    return %arg0, %c0_i32 : i32, i32
  }
  func.func @transform_3(%arg0: i32) -> (i32, i32) {
    %add3A = arith.constant 4 : i32
    %add3A_0 = arith.addi %arg0, %add3A : i32
    %c0_i32 = arith.constant 0 : i32
    %c0_i32_1 = arith.constant 0 : i32
    return %add3A_0, %c0_i32 : i32, i32
  }
  func.func @transform_4(%arg0: i32) -> (i32, i32) {
    %c0_i32 = arith.constant 0 : i32
    %c0_i32_0 = arith.constant 0 : i32
    return %arg0, %c0_i32 : i32, i32
  }
}

module attributes {stable_mosaic.version = 14 : i64} {
  func.func @_gmm_body(%arg0: i32, %arg1: memref<24xi32, #tpu.memory_space<smem>>, %arg2: memref<512x512xi32, #tpu.memory_space<vmem>>, %arg3: memref<1x1024x512xf32, #tpu.memory_space<vmem>>, %arg4: memref<1x1024x512xf32, #tpu.memory_space<vmem>>, %arg5: memref<1x512x1024xf32, #tpu.memory_space<vmem>>, %arg6: memref<1024x16xf32, #tpu.memory_space<vmem>>, %arg7: memref<16x1024xf32, #tpu.memory_space<vmem>>, %arg8: memref<512x512xi32, #tpu.memory_space<vmem>>) attributes {dimension_semantics = [#tpu.dimension_semantics<arbitrary>], iteration_bounds = array<i64: 24>, scalar_prefetch = 1 : i64, scratch_operands = 0 : i64, tpu.core_type = #tpu.core_type<tc>, window_params = [{transform_indices = @transform_0, window_bounds = array<i64: 512, 512>}, {transform_indices = @transform_1, window_bounds = array<i64: 1, 1024, 512>}, {transform_indices = @transform_2, window_bounds = array<i64: 1, 1024, 512>}, {transform_indices = @transform_3, window_bounds = array<i64: 1, 512, 1024>}, {pipeline_mode = #tpu.pipeline_mode<synchronous>, transform_indices = @transform_4, window_bounds = array<i64: 1024, 16>}, {pipeline_mode = #tpu.pipeline_mode<synchronous>, transform_indices = @transform_5, window_bounds = array<i64: 16, 1024>}, {transform_indices = @transform_6, window_bounds = array<i64: 512, 512>}]} {
    %get3A = arith.constant 0 : index
    %get3A_0 = arith.constant 0 : index
    %get3A_1 = vector.load %arg2[%get3A, %get3A_0] : memref<512x512xi32, #tpu.memory_space<vmem>>, vector<512x512xi32>
    %bitcast_convert_type3A = tpu.bitcast %get3A_1 : vector<512x512xi32> -> vector<512x512xi32>
    %and3A = arith.constant 65535 : i32
    %and3A_2 = vector.broadcast %and3A : i32 to vector<512x512xi32>
    %and3A_3 = arith.andi %bitcast_convert_type3A, %and3A_2 : vector<512x512xi32>
    %convert_element_type3A = arith.trunci %and3A_3 : vector<512x512xi32> to vector<512x512xi16>
    %bitcast_convert_type3A_4 = tpu.bitcast %convert_element_type3A : vector<512x512xi16> -> vector<512x512xbf16>
    %shift_right_logical3A = arith.constant 16 : i32
    %shift_right_logical3A_5 = vector.broadcast %shift_right_logical3A : i32 to vector<512x512xi32>
    %shift_right_logical3A_6 = arith.shrui %bitcast_convert_type3A, %shift_right_logical3A_5 : vector<512x512xi32>
    %convert_element_type3A_7 = arith.trunci %shift_right_logical3A_6 : vector<512x512xi32> to vector<512x512xi16>
    %bitcast_convert_type3A_8 = tpu.bitcast %convert_element_type3A_7 : vector<512x512xi16> -> vector<512x512xbf16>
    %get3A_9 = arith.constant 0 : index
    %get3A_10 = arith.constant 0 : index
    %get3A_11 = arith.constant 0 : index
    %get3A_12 = vector.load %arg3[%get3A_9, %get3A_10, %get3A_11] : memref<1x1024x512xf32, #tpu.memory_space<vmem>>, vector<1x1024x512xf32>
    %get3A_13 = vector.shape_cast %get3A_12 : vector<1x1024x512xf32> to vector<1024x512xf32>
    %convert_element_type3A_14 = arith.truncf %get3A_13 : vector<1024x512xf32> to vector<1024x512xbf16>
    %get3A_15 = arith.constant 0 : index
    %get3A_16 = arith.constant 0 : index
    %get3A_17 = arith.constant 0 : index
    %get3A_18 = vector.load %arg4[%get3A_15, %get3A_16, %get3A_17] : memref<1x1024x512xf32, #tpu.memory_space<vmem>>, vector<1x1024x512xf32>
    %get3A_19 = vector.shape_cast %get3A_18 : vector<1x1024x512xf32> to vector<1024x512xf32>
    %convert_element_type3A_20 = arith.truncf %get3A_19 : vector<1024x512xf32> to vector<1024x512xbf16>
    %get3A_21 = arith.constant 0 : index
    %get3A_22 = arith.constant 0 : index
    %get3A_23 = arith.constant 0 : index
    %get3A_24 = vector.load %arg5[%get3A_21, %get3A_22, %get3A_23] : memref<1x512x1024xf32, #tpu.memory_space<vmem>>, vector<1x512x1024xf32>
    %get3A_25 = vector.shape_cast %get3A_24 : vector<1x512x1024xf32> to vector<512x1024xf32>
    %convert_element_type3A_26 = arith.truncf %get3A_25 : vector<512x1024xf32> to vector<512x1024xbf16>
    %slice3A = vector.extract_strided_slice %convert_element_type3A_14 {offsets = [0, 0], sizes = [512, 512], strides = [1, 1]} : vector<1024x512xbf16> to vector<512x512xbf16>
    %dot_general3A = arith.constant dense<0.000000e+00> : vector<512x512xf32>
    %dot_general3A_27 = tpu.matmul %bitcast_convert_type3A_4, %slice3A, %dot_general3A {dimension_numbers = #tpu.dot_dimension_numbers<[1], [0], [0], [1], [0, 0, 1, 1], [], []>, transpose_lhs_hint = false} : vector<512x512xbf16>, vector<512x512xbf16>, vector<512x512xf32> -> vector<512x512xf32>
    %slice3A_28 = vector.extract_strided_slice %convert_element_type3A_14 {offsets = [512, 0], sizes = [512, 512], strides = [1, 1]} : vector<1024x512xbf16> to vector<512x512xbf16>
    %dot_general3A_29 = arith.constant dense<0.000000e+00> : vector<512x512xf32>
    %dot_general3A_30 = tpu.matmul %bitcast_convert_type3A_8, %slice3A_28, %dot_general3A_29 {dimension_numbers = #tpu.dot_dimension_numbers<[1], [0], [0], [1], [0, 0, 1, 1], [], []>, transpose_lhs_hint = false} : vector<512x512xbf16>, vector<512x512xbf16>, vector<512x512xf32> -> vector<512x512xf32>
    %add3A = arith.addf %dot_general3A_27, %dot_general3A_30 : vector<512x512xf32>
    %slice3A_31 = vector.extract_strided_slice %convert_element_type3A_20 {offsets = [0, 0], sizes = [512, 512], strides = [1, 1]} : vector<1024x512xbf16> to vector<512x512xbf16>
    %dot_general3A_32 = arith.constant dense<0.000000e+00> : vector<512x512xf32>
    %dot_general3A_33 = tpu.matmul %bitcast_convert_type3A_4, %slice3A_31, %dot_general3A_32 {dimension_numbers = #tpu.dot_dimension_numbers<[1], [0], [0], [1], [0, 0, 1, 1], [], []>, transpose_lhs_hint = false} : vector<512x512xbf16>, vector<512x512xbf16>, vector<512x512xf32> -> vector<512x512xf32>
    %slice3A_34 = vector.extract_strided_slice %convert_element_type3A_20 {offsets = [512, 0], sizes = [512, 512], strides = [1, 1]} : vector<1024x512xbf16> to vector<512x512xbf16>
    %dot_general3A_35 = arith.constant dense<0.000000e+00> : vector<512x512xf32>
    %dot_general3A_36 = tpu.matmul %bitcast_convert_type3A_8, %slice3A_34, %dot_general3A_35 {dimension_numbers = #tpu.dot_dimension_numbers<[1], [0], [0], [1], [0, 0, 1, 1], [], []>, transpose_lhs_hint = false} : vector<512x512xbf16>, vector<512x512xbf16>, vector<512x512xf32> -> vector<512x512xf32>
    %add3A_37 = arith.addf %dot_general3A_33, %dot_general3A_36 : vector<512x512xf32>
    %logistic3A = arith.negf %add3A : vector<512x512xf32>
    %logistic3A_38 = math.exp %logistic3A : vector<512x512xf32>
    %logistic3A_39 = arith.constant 1.000000e+00 : f32
    %logistic3A_40 = vector.broadcast %logistic3A_39 : f32 to vector<512x512xf32>
    %logistic3A_41 = arith.addf %logistic3A_40, %logistic3A_38 : vector<512x512xf32>
    %logistic3A_42 = arith.divf %logistic3A_40, %logistic3A_41 : vector<512x512xf32>
    %mul3A = arith.mulf %add3A, %logistic3A_42 : vector<512x512xf32>
    %mul3A_43 = arith.mulf %mul3A, %add3A_37 : vector<512x512xf32>
    %convert_element_type3A_44 = arith.truncf %mul3A_43 : vector<512x512xf32> to vector<512x512xbf16>
    %dot_general3A_45 = arith.constant dense<0.000000e+00> : vector<512x1024xf32>
    %dot_general3A_46 = tpu.matmul %convert_element_type3A_44, %convert_element_type3A_26, %dot_general3A_45 {dimension_numbers = #tpu.dot_dimension_numbers<[1], [0], [0], [1], [0, 0, 1, 1], [], []>, transpose_lhs_hint = false} : vector<512x512xbf16>, vector<512x1024xbf16>, vector<512x1024xf32> -> vector<512x1024xf32>
    %get3A_47 = arith.constant 0 : index
    %get3A_48 = arith.constant 0 : index
    %get3A_49 = vector.load %arg6[%get3A_47, %get3A_48] : memref<1024x16xf32, #tpu.memory_space<vmem>>, vector<1024x16xf32>
    %convert_element_type3A_50 = arith.truncf %get3A_49 : vector<1024x16xf32> to vector<1024x16xbf16>
    %get3A_51 = arith.constant 0 : index
    %get3A_52 = arith.constant 0 : index
    %get3A_53 = vector.load %arg7[%get3A_51, %get3A_52] : memref<16x1024xf32, #tpu.memory_space<vmem>>, vector<16x1024xf32>
    %convert_element_type3A_54 = arith.truncf %get3A_53 : vector<16x1024xf32> to vector<16x1024xbf16>
    %slice3A_55 = vector.extract_strided_slice %convert_element_type3A_50 {offsets = [0, 0], sizes = [512, 16], strides = [1, 1]} : vector<1024x16xbf16> to vector<512x16xbf16>
    %dot_general3A_56 = arith.constant dense<0.000000e+00> : vector<512x16xf32>
    %dot_general3A_57 = tpu.matmul %bitcast_convert_type3A_4, %slice3A_55, %dot_general3A_56 {dimension_numbers = #tpu.dot_dimension_numbers<[1], [0], [0], [1], [0, 0, 1, 1], [], []>, transpose_lhs_hint = false} : vector<512x512xbf16>, vector<512x16xbf16>, vector<512x16xf32> -> vector<512x16xf32>
    %slice3A_58 = vector.extract_strided_slice %convert_element_type3A_50 {offsets = [512, 0], sizes = [512, 16], strides = [1, 1]} : vector<1024x16xbf16> to vector<512x16xbf16>
    %dot_general3A_59 = arith.constant dense<0.000000e+00> : vector<512x16xf32>
    %dot_general3A_60 = tpu.matmul %bitcast_convert_type3A_8, %slice3A_58, %dot_general3A_59 {dimension_numbers = #tpu.dot_dimension_numbers<[1], [0], [0], [1], [0, 0, 1, 1], [], []>, transpose_lhs_hint = false} : vector<512x512xbf16>, vector<512x16xbf16>, vector<512x16xf32> -> vector<512x16xf32>
    %add3A_61 = arith.addf %dot_general3A_57, %dot_general3A_60 : vector<512x16xf32>
    %convert_element_type3A_62 = arith.truncf %add3A_61 : vector<512x16xf32> to vector<512x16xbf16>
    %dot_general3A_63 = arith.constant dense<0.000000e+00> : vector<512x1024xf32>
    %dot_general3A_64 = tpu.matmul %convert_element_type3A_62, %convert_element_type3A_54, %dot_general3A_63 {dimension_numbers = #tpu.dot_dimension_numbers<[1], [0], [0], [1], [0, 0, 1, 1], [], []>, transpose_lhs_hint = false} : vector<512x16xbf16>, vector<16x1024xbf16>, vector<512x1024xf32> -> vector<512x1024xf32>
    %mul3A_65 = arith.constant 2.000000e+00 : f32
    %mul3A_66 = vector.broadcast %mul3A_65 : f32 to vector<512x1024xf32>
    %mul3A_67 = arith.mulf %dot_general3A_64, %mul3A_66 : vector<512x1024xf32>
    %add3A_68 = arith.addf %dot_general3A_46, %mul3A_67 : vector<512x1024xf32>
    %slice3A_69 = vector.extract_strided_slice %add3A_68 {offsets = [0, 0], sizes = [512, 512], strides = [1, 1]} : vector<512x1024xf32> to vector<512x512xf32>
    %slice3A_70 = vector.extract_strided_slice %add3A_68 {offsets = [0, 512], sizes = [512, 512], strides = [1, 1]} : vector<512x1024xf32> to vector<512x512xf32>
    %convert_element_type3A_71 = arith.truncf %slice3A_69 : vector<512x512xf32> to vector<512x512xbf16>
    %bitcast_convert_type3A_72 = tpu.bitcast %convert_element_type3A_71 : vector<512x512xbf16> -> vector<512x512xi16>
    %convert_element_type3A_73 = arith.truncf %slice3A_70 : vector<512x512xf32> to vector<512x512xbf16>
    %bitcast_convert_type3A_74 = tpu.bitcast %convert_element_type3A_73 : vector<512x512xbf16> -> vector<512x512xi16>
    %convert_element_type3A_75 = arith.extui %bitcast_convert_type3A_72 : vector<512x512xi16> to vector<512x512xi32>
    %convert_element_type3A_76 = arith.extui %bitcast_convert_type3A_74 : vector<512x512xi16> to vector<512x512xi32>
    %shift_left3A = arith.constant 16 : i32
    %shift_left3A_77 = vector.broadcast %shift_left3A : i32 to vector<512x512xi32>
    %shift_left3A_78 = arith.shli %convert_element_type3A_76, %shift_left3A_77 : vector<512x512xi32>
    %or3A = arith.ori %convert_element_type3A_75, %shift_left3A_78 : vector<512x512xi32>
    %bitcast_convert_type3A_79 = tpu.bitcast %or3A : vector<512x512xi32> -> vector<512x512xi32>
    %swap3A = arith.constant 0 : index
    %swap3A_80 = arith.constant 0 : index
    %swap3A_81 = vector.load %arg8[%swap3A, %swap3A_80] : memref<512x512xi32, #tpu.memory_space<vmem>>, vector<512x512xi32>
    tpu.vector_store %arg8[%swap3A, %swap3A_80], %bitcast_convert_type3A_79 {strides = array<i32>} : memref<512x512xi32, #tpu.memory_space<vmem>>, vector<512x512xi32>,
    return
  }
  func.func @transform_0(%arg0: i32, %arg1: memref<24xi32, #tpu.memory_space<smem>>) -> (i32, i32) {
    %c0_i32 = arith.constant 0 : i32
    %c0_i32_0 = arith.constant 0 : i32
    return %arg0, %c0_i32 : i32, i32
  }
  func.func @transform_1(%arg0: i32, %arg1: memref<24xi32, #tpu.memory_space<smem>>) -> (i32, i32, i32) {
    %get3A = arith.index_cast %arg0 : i32 to index
    %get3A_0 = memref.load %arg1[%get3A] : memref<24xi32, #tpu.memory_space<smem>>
    %c0_i32 = arith.constant 0 : i32
    %c0_i32_1 = arith.constant 0 : i32
    %c0_i32_2 = arith.constant 0 : i32
    return %get3A_0, %c0_i32, %c0_i32_1 : i32, i32, i32
  }
  func.func @transform_2(%arg0: i32, %arg1: memref<24xi32, #tpu.memory_space<smem>>) -> (i32, i32, i32) {
    %get3A = arith.index_cast %arg0 : i32 to index
    %get3A_0 = memref.load %arg1[%get3A] : memref<24xi32, #tpu.memory_space<smem>>
    %c0_i32 = arith.constant 0 : i32
    %c0_i32_1 = arith.constant 0 : i32
    %c0_i32_2 = arith.constant 0 : i32
    return %get3A_0, %c0_i32, %c0_i32_1 : i32, i32, i32
  }
  func.func @transform_3(%arg0: i32, %arg1: memref<24xi32, #tpu.memory_space<smem>>) -> (i32, i32, i32) {
    %get3A = arith.index_cast %arg0 : i32 to index
    %get3A_0 = memref.load %arg1[%get3A] : memref<24xi32, #tpu.memory_space<smem>>
    %c0_i32 = arith.constant 0 : i32
    %c0_i32_1 = arith.constant 0 : i32
    %c0_i32_2 = arith.constant 0 : i32
    return %get3A_0, %c0_i32, %c0_i32_1 : i32, i32, i32
  }
  func.func @transform_4(%arg0: i32, %arg1: memref<24xi32, #tpu.memory_space<smem>>) -> (i32, i32) {
    %c0_i32 = arith.constant 0 : i32
    %c0_i32_0 = arith.constant 0 : i32
    %c0_i32_1 = arith.constant 0 : i32
    return %c0_i32, %c0_i32_0 : i32, i32
  }
  func.func @transform_5(%arg0: i32, %arg1: memref<24xi32, #tpu.memory_space<smem>>) -> (i32, i32) {
    %c0_i32 = arith.constant 0 : i32
    %c0_i32_0 = arith.constant 0 : i32
    %c0_i32_1 = arith.constant 0 : i32
    return %c0_i32, %c0_i32_0 : i32, i32
  }
  func.func @transform_6(%arg0: i32, %arg1: memref<24xi32, #tpu.memory_space<smem>>) -> (i32, i32) {
    %c0_i32 = arith.constant 0 : i32
    %c0_i32_0 = arith.constant 0 : i32
    return %arg0, %c0_i32 : i32, i32
  }
}

</mosaic_0001>

<sc_bundles>
// kernel: kernel.10.cloned.1.call-start
scs
__scs_entry_jumppad:
0x0: {  	(pc) =	sbr.rel $0x88, $3  }
0x1: {  	(tag) =	ssettag $0x0;
	lr =	simm.s32 $0x1  }
0x2: {  	[smem:$0x3F9A] =	sst lr;
	_ =	strace $0xD0000000  }
0x3: {  	_ = 	snop  }
0x4: {  	_ = 	snop  }
0x5: {  	_ = 	snop  }
0x6: {  	_ = 	snop  }
0x7: {  	_ = 	snop  }
__scs_overlays_trampoline_lowered:
0x8: {  	[smem:$0x3FA9] =	sst s0  }
0x9: {  	[smem:$0x3FAA] =	sst s1  }
0xa: {  	[smem:$0x3FAB] =	sst s2  }
0xb: {  	[smem:$0x3FAC] =	sst s3  }
0xc: {  	[smem:$0x3FAD] =	sst s4  }
0xd: {  	[smem:$0x3FAE] =	sst s5  }
0xe: {  	[smem:$0x3FAF] =	sst s6  }
0xf: {  	[smem:$0x3FB0] =	sst s7  }
0x10: {  	[smem:$0x3FB1] =	sst s8  }
0x11: {  	[smem:$0x3FB2] =	sst s9;
	s0 =	simm.s32 @!p0 $0x0  }
0x12: {  	s1 =	sld [smem:$0x3F98];
	s0 =	simm.s32 @p0 $0x1  }
0x13: {  	[smem:$0x3FB3] =	sst s0;
	s0 =	simm.s32 @!p1 $0x0  }
0x14: {  	s2 =	sld [smem:$0x3F97];
	s0 =	simm.s32 @p1 $0x1  }
0x15: {  	[smem:$0x3FB4] =	sst s0;
	s0 =	simm.s32 @!p2 $0x0  }
0x16: {  	s3 =	sld [smem:$0x3FDB];
	s0 =	simm.s32 @p2 $0x1  }
0x17: {  	s4 =	simm.s32 $0x1BF5;
	[smem:$0x3FB6] =	sst s0  }
0x18: {  	s0 =	sld [smem:$0x3F99];
	_ =	swait.ge [sflag:s4], $0x0  }
0x19: {  	s7 =	sld [smem:$0x3F9A]  }
0x1a: {  	s8 =	sadd.s32 $0xFFFFE003, lr  }
0x1b: {  	s9 =	sadd.s32 $0xFFFFFEF7, lr;
	s5 =	simm.s32 $0xFFFFFFFF;
	p2 =	slt.u32 s8, $0xFFFFF086  }
0x1c: {  	p1 =	slt.u32 s9, $0xF7A;
	s5 =	simm.s32 @!p2 $0x0  }
0x1d: {  	s5 =	simm.s32 @p1 $0x1;
	p0 =	seq.s32 s7, s2  }
0x1e: {  	s7 =	smul.u32 @!p0 $0xF7A, s2;
	p2 =	seq.s32 @!p0 s5, $0x0  }
0x1f: {  	s9 =	smul.u32 $0xF7A, s1;
	s8 =	simm.s32 @!p0 $0x1BF5;
	p2 =	por !p2, p0  }
0x20: {  	[sflag:s8] =	ssyncset.s32 @!p0 $0xFFFFF086;
	s6 =	sadd.s32 @!p0 s3, s7;
	s7 =	simm.s32 @!p0 $0x108  }
0x21: {  	s3 =	sadd.s32 s3, s9;
	s6 =	sadd.s32 @!p0 $0x88, s6;
	s7 =	simm.s32 @p2 $0x1082  }
0x22: {  	[simem:s7], [sflag:s8] =	dma.local @!p0 [hbm:s6], $0xF7A  }
0x23: {  	s9 =	sor.u32 $0xD0000000, s2;
	s6 =	simm.s32 $0x108;
	_ =	swait.ge @!p0 [sflag:s8], $0x0  }
0x24: {  	s3 =	sadd.s32 $0x88, s3;
	s6 =	simm.s32 @!p1 $0x1082;
	[sflag:s4] =	ssyncset.s32 $0xFFFFF086  }
0x25: {  	[simem:s6], [sflag:s4] =	dma.local [hbm:s3], $0xF7A  }
0x26: {  	[smem:$0x3F9A] =	sst s1;
	(tag) =	ssettag s2;
	_ =	strace s9  }
0x27: {  	s1 =	sld [smem:$0x3FAA]  }
0x28: {  	s2 =	sld [smem:$0x3FAB]  }
0x29: {  	s4 =	sld [smem:$0x3FAD]  }
0x2a: {  	p0 =	seq.s32 s5, $0x0;
	s5 =	sld [smem:$0x3FAE]  }
0x2b: {  	s6 =	sld [smem:$0x3FAF]  }
0x2c: {  	s7 =	sld [smem:$0x3FB0]  }
0x2d: {  	s3 =	simm.s32 $0x108;
	s8 =	sld [smem:$0x3FB1]  }
0x2e: {  	s3 =	simm.s32 @!p0 $0x1082;
	s9 =	sld [smem:$0x3FB2]  }
0x2f: {  	lr =	sadd.s32 s0, s3;
	s0 =	sld [smem:$0x3FA9]  }
0x30: {  	s3 =	sld [smem:$0x3FAC]  }
0x31: {  	[smem:$0x3FB5] =	sst s10  }
0x32: {  	s10 =	sld [smem:$0x3FB3];
	_ =	sdelay $0x3  }
0x33: {  	p0 =	seq.s32 s10, $0x1;
	s10 =	sld [smem:$0x3FB5];
	_ =	sdelay $0x3  }
0x34: {  	[smem:$0x3FB5] =	sst s10  }
0x35: {  	s10 =	sld [smem:$0x3FB4];
	_ =	sdelay $0x3  }
0x36: {  	p1 =	seq.s32 s10, $0x1;
	s10 =	sld [smem:$0x3FB5];
	_ =	sdelay $0x3  }
0x37: {  	[smem:$0x3FB5] =	sst s10  }
0x38: {  	s10 =	sld [smem:$0x3FB6]  }
0x39: {  	_ = 	snop;
	(pc) =	sbr.ind lr, $3  }
0x3a: {  	_ = 	snop  }
0x3b: {  	_ = 	snop  }
0x3c: {  	p2 =	seq.s32 s10, $0x1;
	s10 =	sld [smem:$0x3FB5]  }
0x3d: {  	_ =	shalt  }
0x3e: {  	_ =	shalt  }
0x3f: {  	_ =	shalt  }
0x40: {  	_ =	shalt  }
0x41: {  	_ =	shalt  }
0x42: {  	_ =	shalt  }
0x43: {  	_ =	shalt  }
0x44: {  	_ =	shalt  }
0x45: {  	_ =	shalt  }
0x46: {  	_ =	shalt  }
0x47: {  	_ =	shalt  }
0x48: {  	_ =	shalt  }
0x49: {  	_ =	shalt  }
0x4a: {  	_ =	shalt  }
0x4b: {  	_ =	shalt  }
0x4c: {  	_ =	shalt  }
0x4d: {  	_ =	shalt  }
0x4e: {  	_ =	shalt  }
0x4f: {  	_ =	shalt  }
0x50: {  	_ =	shalt  }
0x51: {  	_ =	shalt  }
0x52: {  	_ =	shalt  }
0x53: {  	_ =	shalt  }
0x54: {  	_ =	shalt  }
0x55: {  	_ =	shalt  }
0x56: {  	_ =	shalt  }
0x57: {  	_ =	shalt  }
0x58: {  	_ =	shalt  }
0x59: {  	_ =	shalt  }
0x5a: {  	_ =	shalt  }
0x5b: {  	_ =	shalt  }
0x5c: {  	_ =	shalt  }
0x5d: {  	_ =	shalt  }
0x5e: {  	_ =	shalt  }
0x5f: {  	_ =	shalt  }
0x60: {  	_ =	shalt  }
0x61: {  	_ =	shalt  }
0x62: {  	_ =	shalt  }
0x63: {  	_ =	shalt  }
0x64: {  	_ =	shalt  }
0x65: {  	_ =	shalt  }
0x66: {  	_ =	shalt  }
0x67: {  	_ =	shalt  }
0x68: {  	_ =	shalt  }
0x69: {  	_ =	shalt  }
0x6a: {  	_ =	shalt  }
0x6b: {  	_ =	shalt  }
0x6c: {  	_ =	shalt  }
0x6d: {  	_ =	shalt  }
0x6e: {  	_ =	shalt  }
0x6f: {  	_ =	shalt  }
0x70: {  	_ =	shalt  }
0x71: {  	_ =	shalt  }
0x72: {  	_ =	shalt  }
0x73: {  	_ =	shalt  }
0x74: {  	_ =	shalt  }
0x75: {  	_ =	shalt  }
0x76: {  	_ =	shalt  }
0x77: {  	_ =	shalt  }
0x78: {  	_ =	shalt  }
0x79: {  	_ =	shalt  }
0x7a: {  	_ =	shalt  }
0x7b: {  	_ =	shalt  }
0x7c: {  	_ =	shalt  }
0x7d: {  	_ =	shalt  }
0x7e: {  	_ =	shalt  }
0x7f: {  	_ =	shalt  }
0x80: {  	_ =	shalt  }
0x81: {  	_ =	shalt  }
0x82: {  	_ =	shalt  }
0x83: {  	_ =	shalt  }
0x84: {  	_ =	shalt  }
0x85: {  	_ =	shalt  }
0x86: {  	_ =	shalt  }
0x87: {  	_ =	shalt  }
.Lfunc_end0:
.L_simem_size_0:
called_computation.1_lowered:
.L_overlay_start_0:
0x88: {  	s2 =	sld [smem:$0x3FD9]  }
0x89: {  	s3 =	sld [smem:$0x3FFE];
	_ =	sdelay $0x1  }
0x8a: {  	s1 =	srdreg.scid  }
0x8b: {  	s0 =	sand.u32 $0x1, s1  }
0x8c: {  	s17 =	sshll.u32 s0, $0xA;
	s2 =	sadd.s32 s3, s2  }
0x8d: {  	s2 =	sadd.s32 s2, s17  }
0x8e: {  	[smem:$0x3FC1] =	sst s2  }
0x8f: {  	_ = 	snop  }
0x90: {  	s2 =	sld [smem:$0x3FD0];
	(tm) =	ssettm $0x1  }
0x91: {  	s18 =	sld [smem:$0x3FFB];
	_ =	sdelay $0x3  }
0x92: {  	_ =	strace s18  }
0x93: {  	s3 =	sld [smem:$0x3FFC];
	_ =	sdelay $0x3  }
0x94: {  	_ =	strace s3  }
0x95: {  	s3 =	sld [smem:$0x3FFD];
	_ =	sdelay $0x3  }
0x96: {  	_ =	strace s3  }
0x97: {  	_ =	strace $0x8FFFFFFF  }
0x98: {  	s19 =	sld [smem:$0x3FDB];
	_ =	sdelay $0x1  }
0x99: {  	s4 =	simm.s32 $_scs_section_size  }
0x9a: {  	s5 =	simm.s32 $_size__tile_overlayer_lowered;
	s6 =	simm.s32 $_tile_overlayer_lowered  }
0x9b: {  	s22 =	simm.s32 $0x1BFF;
	s21 =	sshll.u32 s6, $0x1;
	s3 =	sadd.s32 s4, s19  }
0x9c: {  	s7 =	simm.s32 $0x0;
	s20 =	sshll.u32 s5, $0x1;
	s5 =	sadd.s32 s21, s3  }
0x9d: {  	[timem:s7], [sflag:s22] =	dma.local [hbm:s5], s20  }
0x9e: {  	_ =	swait.ge [sflag:s22], s20  }
0x9f: {  	s4 =	ssub.s32 $0x0, s20;
	[sflag:s22] =	ssyncset.done $0x0  }
0xa0: {  	[sflag:s22] =	ssyncadd.s32 s4;
	_ =	sdelay $0x1  }
0xa1: {  	s23 =	simm.s32 $0x1B8B  }
0xa2: {  	_ =	swait.ge [sflag:s23], $0x1  }
0xa3: {  	[sflag:s23] =	ssyncset.done $0x0  }
0xa4: {  	s25 =	simm.s32 $0x1B8E;
	s24 =	sld [smem:$0x3FFE];
	[sflag:s23] =	ssyncadd.s32 $0xFFFFFFFF  }
0xa5: {  	s26 =	simm.s32 $execute0_lowered;
	[smem:$0x3FD2] =	sst s25  }
0xa6: {  	s5 =	sshll.u32 s26, $0x1;
	_ =	strace $0x80000049;
	[dreg:$0x1] =	wrdreg $0xFFFFFFFF  }
0xa7: {  	s28 =	simm.s32 $_size_execute0_lowered;
	s3 =	sadd.s32 s3, s5;
	[dreg:$0x0] =	wrdreg $0x0  }
0xa8: {  	s5 =	sshll.u32 s28, $0x1;
	[dreg:$0x2] =	wrdreg s3  }
0xa9: {  	[dreg:$0x3] =	wrdreg s5  }
0xaa: {  	[dreg:$0x4] =	wrdreg $0xC0  }
0xab: {  	_ =	task [dreg:s7], $0x5FFFF  }
0xac: {  	[dreg:$0x1] =	wrdreg $0xFFFFFFFF  }
0xad: {  	[dreg:$0x0] =	wrdreg $0x60  }
0xae: {  	[dreg:$0x2] =	wrdreg s24  }
0xaf: {  	[dreg:$0x3] =	wrdreg s2  }
0xb0: {  	[dreg:$0x4] =	wrdreg $0x9  }
0xb1: {  	_ =	task.clear_ibuf [dreg:s7], $0x5FFFF;
	_ =	strace $0x90000049  }
0xb2: {  	s29 =	simm.s32 $0x9;
	_ =	strace $0x8000004B  }
0xb3: {  	_ =	swait.ge [sflag:s29], $0x1  }
0xb4: {  	[sflag:s29] =	ssyncadd.s32 $0xFFFFFFFF  }
0xb5: {  	_ =	strace $0x9000004B  }
0xb6: {  	_ =	sfence  }
0xb7: {  	s30 =	sld [smem:$0x0];
	_ =	sdelay $0x2  }
0xb8: {  	s31 =	sshll.u32 s1, $0xD;
	s1 =	sshrl.u32 s1, $0x2  }
0xb9: {  	s3 =	sand.u32 $0x4000, s31;
	s1 =	sadd.s32 s1, s30  }
0xba: {  	s0 =	sor.u32 s3, s0;
	s1 =	sshll.u32 s1, $0x11  }
0xbb: {  	s0 =	sor.u32 s1, s0  }
0xbc: {  	s0 =	sadd.s32 $0x8F2B, s0  }
0xbd: {  	[sflag:s0] =	ssyncadd.remote.s32 $0x1  }
0xbe: {  	_ =	sfence.sel $0xFFFF  }
0xbf: {  	[dreg:$0x0] =	wrdreg $0xFFFFFFFF;
	(pc) =	sbr.abs _section_cstart, $3  }
0xc0: {  	[dreg:$0x1] =	wrdreg $0xFFFFFFFF  }
0xc1: {  	_ =	task.clear_ibuf [dreg:s7], $0x2FFFF;
	_ =	strace $0x9FFFFFFF  }
0xc2: {  	(tm) =	ssettm $0x7FFFFFFF  }
0xc3: {  	_ =	shalt  }
tec
execute0_lowered:
.L_overlay_start_1:
0x0: {  	(tag) =	ssettag $0x1  }
0x1: {  	s0 =	rddreg [dreg:$0x0];
	s1 =	srdreg.scid  }
0x2: {  	s3 =	rddreg [dreg:$0x1];
	s2 =	simm.s32 $0x0;
	s11 =	stileid.u32  }
0x3: {  	s17 =	simm.s32 $0x8A00;
	s18 =	simm.s32 $0x9200;
	[smem:$0x7FF] =	sst s2  }
0x4: {  	s19 =	simm.s32 $0x9A00;
	_ =	strace $0x8000004A;
	[dreg:$0x7] =	wrdreg s17  }
0x5: {  	s20 =	simm.s32 $0xA200;
	s21 =	simm.s32 $0xAA00;
	[dreg:$0x8] =	wrdreg s18  }
0x6: {  	s22 =	simm.s32 $0xB200;
	s23 =	simm.s32 $0xBA00;
	[dreg:$0x9] =	wrdreg s19  }
0x7: {  	s24 =	simm.s32 $0xC200;
	s25 =	simm.s32 $0xCA00;
	[dreg:$0xa] =	wrdreg s20  }
0x8: {  	s9 =	simm.s32 $0xEA00;
	s10 =	simm.s32 $0xF200;
	[dreg:$0xb] =	wrdreg s21  }
0x9: {  	s28 =	simm.s32 $0x2;
	s29 =	simm.s32 $0x4;
	[dreg:$0xc] =	wrdreg s22  }
0xa: {  	s30 =	simm.s32 $0x3;
	s31 =	simm.s32 $0x5;
	[dreg:$0xd] =	wrdreg s23  }
0xb: {  	s5 =	sand.u32 $0x1, s1;
	s6 =	sshll.u32 s11, $0x7;
	[dreg:$0xe] =	wrdreg s24  }
0xc: {  	s7 =	sshll.u32 s11, $0xF;
	s11 =	simm.s32 $0xFA00;
	[dreg:$0xf] =	wrdreg s25  }
0xd: {  	s1 =	sshll.u32 s5, $0x6;
	s8 =	sshll.u32 s5, $0xE;
	[dreg:$0x13] =	wrdreg s9  }
0xe: {  	s5 =	ssub.s32 $0x2, s5;
	[dreg:$0x14] =	wrdreg s10;
	s9 =	simm.s32 $0xA00  }
0xf: {  	[dreg:$0x15] =	wrdreg s11;
	s10 =	simm.s32 $0x1200;
	s11 =	simm.s32 $0x1A00  }
0x10: {  	s17 =	simm.s32 $0x13200;
	s18 =	simm.s32 $0x13A00;
	s19 =	simm.s32 $0x14200  }
0x11: {  	s20 =	simm.s32 $0x14A00;
	s21 =	simm.s32 $0x15200;
	[dreg:$0x1b] =	wrdreg s17  }
0x12: {  	s22 =	simm.s32 $0x15A00;
	s23 =	simm.s32 $0x16200;
	[dreg:$0x1c] =	wrdreg s18  }
0x13: {  	s24 =	simm.s32 $0x16A00;
	s25 =	simm.s32 $0x17200;
	[dreg:$0x1d] =	wrdreg s19  }
0x14: {  	s4 =	sadd.s32 s1, s0;
	s12 =	sor.u32 s8, s7;
	[dreg:$0x1e] =	wrdreg s20  }
0x15: {  	s26 =	sshrl.u32 s5, $0x1;
	s1 =	simm.s32 $0xD200;
	[dreg:$0x1f] =	wrdreg s21  }
0x16: {  	s8 =	simm.s32 $0xE200;
	s17 =	simm.s32 $0x4A00;
	[smem:$0x7F9] =	sst s22  }
0x17: {  	s18 =	simm.s32 $0x5200;
	s19 =	simm.s32 $0x5A00;
	[smem:$0x7FA] =	sst s23  }
0x18: {  	s20 =	simm.s32 $0x6200;
	s21 =	simm.s32 $0x6A00;
	[smem:$0x7FB] =	sst s24  }
0x19: {  	s22 =	simm.s32 $0x7200;
	s23 =	simm.s32 $0x7A00;
	[smem:$0x7FC] =	sst s25  }
0x1a: {  	s24 =	simm.s32 $0x8200;
	s25 =	simm.s32 $0x1;
	[dreg:$0x10] =	wrdreg s1  }
0x1b: {  	s4 =	sadd.s32 s6, s4;
	s13 =	sadd.s32 s3, s12;
	[dreg:$0x12] =	wrdreg s8  }
0x1c: {  	s7 =	ssub.s32 s5, s26;
	s3 =	simm.s32 $0xDA00;
	[smem:$0x7F8] =	sst s13  }
0x1d: {  	s5 =	sadd.s32 $0xC2100, s0;
	s12 =	simm.s32 $0x10A00;
	[dreg:$0x11] =	wrdreg s3  }
0x1e: {  	s8 =	simm.s32 $0x200;
	s26 =	simm.s32 $0x17A00;
	[dreg:$0x16] =	wrdreg s12  }
0x1f: {  	s4 =	sadd.s32 $0x1800, s4;
	s14 =	sadd.s32 $0x1000, s13;
	[smem:$0x7FD] =	sst s26  }
0x20: {  	s15 =	sadd.s32 $0x2000, s13;
	s16 =	sadd.s32 $0x3000, s13;
	[dreg:$0x3] =	wrdreg s4  }
0x21: {  	s6 =	smax.u32 s7, $0x1;
	s7 =	simm.s32 $0x7;
	[dreg:$0x4] =	wrdreg s14  }
0x22: {  	s13 =	simm.s32 $0x11200;
	s12 =	simm.s32 $0x2200;
	[dreg:$0x5] =	wrdreg s15  }
0x23: {  	s26 =	simm.s32 $0x10200;
	[dreg:$0x6] =	wrdreg s16;
	s4 =	sadd.s32 $0xC2000, s0  }
0x24: {  	[dreg:$0x17] =	wrdreg s13;
	s14 =	simm.s32 $0x11A00;
	s15 =	simm.s32 $0x12200  }
0x25: {  	v2 =	vlaneseq.u32;
	s13 =	simm.s32 $0x2A00;
	s16 =	simm.s32 $0x12A00;
	[dreg:$0x18] =	wrdreg s14  }
0x26: {  	vm0 =	vmmov $0xffff;
	v1 =	vshrl.u32 v2, $0x3;
	s0 =	simm.s32 $0x6;
	[dreg:$0x19] =	wrdreg s15;
	s14 =	simm.s32 $0x3200  }
0x27: {  	v0 =	vand.u32 $0x7, v2;
	v2 =	vor.u32 $0x8, v2;
	v1 =	vmul.u32 $0x8, v1;
	[dreg:$0x1a] =	wrdreg s16;
	s15 =	simm.s32 $0x3A00;
	s16 =	simm.s32 $0x4200  }
.LBB2_1:
0x28: {  	s1 =	rddreg [dreg:$0x3]  }
0x29: {  	[tilespmem:s2], [sflag:$0x7] =	stream.linear.gather [hbm4b:s1+s2], $0x200, $0x38;
	[tilespmem:$0x18200] =	vst v63  }
0x2a: {  	_ =	swait.ge [sflag:s7], $0x200  }
0x2b: {  	[sflag:s7] =	ssyncset.done $0x0  }
0x2c: {  	[sflag:s7] =	ssyncadd.s32 $0xFFFFFE00  }
0x2d: {  	v3 =	vld [tilespmem:$0x0];
	_ =	sdelay $0x4  }
0x2e: {  	v4 =	vshll.u32 v3, $0x2  }
0x2f: {  	v3 =	vand.u32 $0x7, v3;
	v4 =	vand.u32 $0xFFFFFFE0, v4  }
0x30: {  	v3 =	vor.u32 v3, v4  }
0x31: {  	v4 =	vperm.xlane v3, v0;
	_ =	sdelay $0x1  }
0x32: {  	v4 =	vadd.s32 v1, v4;
	_ =	sdelay $0x1  }
0x33: {  	v3 =	vperm.xlane v3, v2;
	_ =	sdelay $0x1  }
0x34: {  	v3 =	vadd.s32 v1, v3  }
0x35: {  	[tilespmem:s8], [sflag:$0x1] =	stream.indirect_vreg.gather [hbm4b:s4+s2], $0x80, v4, vm0, $0xb8;
	[tilespmem:$0x18200] =	vst v63  }
0x36: {  	_ = 	snop  }
0x37: {  	[tilespmem:s9], [sflag:$0x1] =	stream.indirect_vreg.gather [hbm4b:s5+s2], $0x80, v4, vm0, $0xb8;
	[tilespmem:$0x18200] =	vst v63  }
0x38: {  	_ = 	snop  }
0x39: {  	[tilespmem:s10], [sflag:$0x1] =	stream.indirect_vreg.gather [hbm4b:s4+s2], $0x80, v3, vm0, $0xb8;
	[tilespmem:$0x18200] =	vst v63  }
0x3a: {  	_ = 	snop  }
0x3b: {  	[tilespmem:s11], [sflag:$0x1] =	stream.indirect_vreg.gather [hbm4b:s5+s2], $0x80, v3, vm0, $0xb8;
	[tilespmem:$0x18200] =	vst v63  }
0x3c: {  	v3 =	vld [tilespmem:$0x10];
	_ =	sdelay $0x4  }
0x3d: {  	v49 =	vshll.u32 v3, $0x2  }
0x3e: {  	v3 =	vand.u32 $0x7, v3;
	v4 =	vand.u32 $0xFFFFFFE0, v49  }
0x3f: {  	v3 =	vor.u32 v3, v4  }
0x40: {  	v4 =	vperm.xlane v3, v0;
	_ =	sdelay $0x1  }
0x41: {  	v4 =	vadd.s32 v1, v4;
	_ =	sdelay $0x1  }
0x42: {  	v3 =	vperm.xlane v3, v2;
	_ =	sdelay $0x1  }
0x43: {  	v3 =	vadd.s32 v1, v3  }
0x44: {  	[tilespmem:s12], [sflag:$0x1] =	stream.indirect_vreg.gather [hbm4b:s4+s2], $0x80, v4, vm0, $0xb8;
	[tilespmem:$0x18200] =	vst v63  }
0x45: {  	_ = 	snop  }
0x46: {  	[tilespmem:s13], [sflag:$0x1] =	stream.indirect_vreg.gather [hbm4b:s5+s2], $0x80, v4, vm0, $0xb8;
	[tilespmem:$0x18200] =	vst v63  }
0x47: {  	_ = 	snop  }
0x48: {  	[tilespmem:s14], [sflag:$0x1] =	stream.indirect_vreg.gather [hbm4b:s4+s2], $0x80, v3, vm0, $0xb8;
	[tilespmem:$0x18200] =	vst v63  }
0x49: {  	_ = 	snop  }
0x4a: {  	[tilespmem:s15], [sflag:$0x1] =	stream.indirect_vreg.gather [hbm4b:s5+s2], $0x80, v3, vm0, $0xb8;
	[tilespmem:$0x18200] =	vst v63  }
0x4b: {  	v3 =	vld [tilespmem:$0x20];
	_ =	sdelay $0x4  }
0x4c: {  	v50 =	vshll.u32 v3, $0x2  }
0x4d: {  	v3 =	vand.u32 $0x7, v3;
	v4 =	vand.u32 $0xFFFFFFE0, v50  }
0x4e: {  	v3 =	vor.u32 v3, v4  }
0x4f: {  	v4 =	vperm.xlane v3, v0;
	_ =	sdelay $0x1  }
0x50: {  	v4 =	vadd.s32 v1, v4;
	_ =	sdelay $0x1  }
0x51: {  	v3 =	vperm.xlane v3, v2;
	_ =	sdelay $0x1  }
0x52: {  	v3 =	vadd.s32 v1, v3  }
0x53: {  	[tilespmem:s16], [sflag:$0x1] =	stream.indirect_vreg.gather [hbm4b:s4+s2], $0x80, v4, vm0, $0xb8;
	[tilespmem:$0x18200] =	vst v63  }
0x54: {  	_ = 	snop  }
0x55: {  	[tilespmem:s17], [sflag:$0x1] =	stream.indirect_vreg.gather [hbm4b:s5+s2], $0x80, v4, vm0, $0xb8;
	[tilespmem:$0x18200] =	vst v63  }
0x56: {  	_ = 	snop  }
0x57: {  	[tilespmem:s18], [sflag:$0x1] =	stream.indirect_vreg.gather [hbm4b:s4+s2], $0x80, v3, vm0, $0xb8;
	[tilespmem:$0x18200] =	vst v63  }
0x58: {  	_ = 	snop  }
0x59: {  	[tilespmem:s19], [sflag:$0x1] =	stream.indirect_vreg.gather [hbm4b:s5+s2], $0x80, v3, vm0, $0xb8;
	[tilespmem:$0x18200] =	vst v63  }
0x5a: {  	v3 =	vld [tilespmem:$0x30];
	_ =	sdelay $0x4  }
0x5b: {  	v51 =	vshll.u32 v3, $0x2  }
0x5c: {  	v3 =	vand.u32 $0x7, v3;
	v4 =	vand.u32 $0xFFFFFFE0, v51  }
0x5d: {  	v3 =	vor.u32 v3, v4  }
0x5e: {  	v4 =	vperm.xlane v3, v0;
	_ =	sdelay $0x1  }
0x5f: {  	v4 =	vadd.s32 v1, v4;
	_ =	sdelay $0x1  }
0x60: {  	v3 =	vperm.xlane v3, v2;
	_ =	sdelay $0x1  }
0x61: {  	v3 =	vadd.s32 v1, v3  }
0x62: {  	[tilespmem:s20], [sflag:$0x1] =	stream.indirect_vreg.gather [hbm4b:s4+s2], $0x80, v4, vm0, $0xb8;
	[tilespmem:$0x18200] =	vst v63  }
0x63: {  	_ = 	snop  }
0x64: {  	[tilespmem:s21], [sflag:$0x1] =	stream.indirect_vreg.gather [hbm4b:s5+s2], $0x80, v4, vm0, $0xb8;
	[tilespmem:$0x18200] =	vst v63  }
0x65: {  	_ = 	snop  }
0x66: {  	[tilespmem:s22], [sflag:$0x1] =	stream.indirect_vreg.gather [hbm4b:s4+s2], $0x80, v3, vm0, $0xb8;
	[tilespmem:$0x18200] =	vst v63  }
0x67: {  	_ = 	snop  }
0x68: {  	[tilespmem:s23], [sflag:$0x1] =	stream.indirect_vreg.gather [hbm4b:s5+s2], $0x80, v3, vm0, $0xb8;
	[tilespmem:$0x18200] =	vst v63  }
0x69: {  	v3 =	vld [tilespmem:$0x80];
	_ =	sdelay $0x4  }
0x6a: {  	v52 =	vshll.u32 v3, $0x2  }
0x6b: {  	v3 =	vand.u32 $0x7, v3;
	v4 =	vand.u32 $0xFFFFFFE0, v52  }
0x6c: {  	v3 =	vor.u32 v3, v4  }
0x6d: {  	v4 =	vperm.xlane v3, v0;
	_ =	sdelay $0x1  }
0x6e: {  	v4 =	vadd.s32 v1, v4;
	_ =	sdelay $0x1  }
0x6f: {  	v3 =	vperm.xlane v3, v2;
	_ =	sdelay $0x1  }
0x70: {  	v3 =	vadd.s32 v1, v3  }
0x71: {  	[tilespmem:s24], [sflag:$0x2] =	stream.indirect_vreg.gather [hbm4b:s4+s2], $0x80, v4, vm0, $0xb8;
	[tilespmem:$0x18200] =	vst v63  }
0x72: {  	s1 =	rddreg [dreg:$0x7]  }
0x73: {  	[tilespmem:s1], [sflag:$0x2] =	stream.indirect_vreg.gather [hbm4b:s5+s2], $0x80, v4, vm0, $0xb8;
	[tilespmem:$0x18200] =	vst v63  }
0x74: {  	s3 =	rddreg [dreg:$0x8]  }
0x75: {  	[tilespmem:s3], [sflag:$0x2] =	stream.indirect_vreg.gather [hbm4b:s4+s2], $0x80, v3, vm0, $0xb8;
	[tilespmem:$0x18200] =	vst v63  }
0x76: {  	s1 =	rddreg [dreg:$0x9]  }
0x77: {  	[tilespmem:s1], [sflag:$0x2] =	stream.indirect_vreg.gather [hbm4b:s5+s2], $0x80, v3, vm0, $0xb8;
	[tilespmem:$0x18200] =	vst v63  }
0x78: {  	v3 =	vld [tilespmem:$0x90];
	_ =	sdelay $0x4  }
0x79: {  	v53 =	vshll.u32 v3, $0x2  }
0x7a: {  	v3 =	vand.u32 $0x7, v3;
	v4 =	vand.u32 $0xFFFFFFE0, v53  }
0x7b: {  	v3 =	vor.u32 v3, v4  }
0x7c: {  	v4 =	vperm.xlane v3, v0;
	_ =	sdelay $0x1  }
0x7d: {  	v4 =	vadd.s32 v1, v4;
	_ =	sdelay $0x1  }
0x7e: {  	v3 =	vperm.xlane v3, v2;
	_ =	sdelay $0x1  }
0x7f: {  	s1 =	rddreg [dreg:$0xa];
	v3 =	vadd.s32 v1, v3  }
0x80: {  	[tilespmem:s1], [sflag:$0x2] =	stream.indirect_vreg.gather [hbm4b:s4+s2], $0x80, v4, vm0, $0xb8;
	[tilespmem:$0x18200] =	vst v63  }
0x81: {  	s3 =	rddreg [dreg:$0xb]  }
0x82: {  	[tilespmem:s3], [sflag:$0x2] =	stream.indirect_vreg.gather [hbm4b:s5+s2], $0x80, v4, vm0, $0xb8;
	[tilespmem:$0x18200] =	vst v63  }
0x83: {  	s1 =	rddreg [dreg:$0xc]  }
0x84: {  	[tilespmem:s1], [sflag:$0x2] =	stream.indirect_vreg.gather [hbm4b:s4+s2], $0x80, v3, vm0, $0xb8;
	[tilespmem:$0x18200] =	vst v63  }
0x85: {  	s3 =	rddreg [dreg:$0xd]  }
0x86: {  	[tilespmem:s3], [sflag:$0x2] =	stream.indirect_vreg.gather [hbm4b:s5+s2], $0x80, v3, vm0, $0xb8;
	[tilespmem:$0x18200] =	vst v63  }
0x87: {  	v3 =	vld [tilespmem:$0xA0];
	_ =	sdelay $0x4  }
0x88: {  	v54 =	vshll.u32 v3, $0x2  }
0x89: {  	v3 =	vand.u32 $0x7, v3;
	v4 =	vand.u32 $0xFFFFFFE0, v54  }
0x8a: {  	v3 =	vor.u32 v3, v4  }
0x8b: {  	v4 =	vperm.xlane v3, v0;
	_ =	sdelay $0x1  }
0x8c: {  	v4 =	vadd.s32 v1, v4;
	_ =	sdelay $0x1  }
0x8d: {  	v3 =	vperm.xlane v3, v2;
	_ =	sdelay $0x1  }
0x8e: {  	s1 =	rddreg [dreg:$0xe];
	v3 =	vadd.s32 v1, v3  }
0x8f: {  	[tilespmem:s1], [sflag:$0x2] =	stream.indirect_vreg.gather [hbm4b:s4+s2], $0x80, v4, vm0, $0xb8;
	[tilespmem:$0x18200] =	vst v63  }
0x90: {  	s3 =	rddreg [dreg:$0xf]  }
0x91: {  	[tilespmem:s3], [sflag:$0x2] =	stream.indirect_vreg.gather [hbm4b:s5+s2], $0x80, v4, vm0, $0xb8;
	[tilespmem:$0x18200] =	vst v63  }
0x92: {  	s1 =	rddreg [dreg:$0x10]  }
0x93: {  	[tilespmem:s1], [sflag:$0x2] =	stream.indirect_vreg.gather [hbm4b:s4+s2], $0x80, v3, vm0, $0xb8;
	[tilespmem:$0x18200] =	vst v63  }
0x94: {  	s3 =	rddreg [dreg:$0x11]  }
0x95: {  	[tilespmem:s3], [sflag:$0x2] =	stream.indirect_vreg.gather [hbm4b:s5+s2], $0x80, v3, vm0, $0xb8;
	[tilespmem:$0x18200] =	vst v63  }
0x96: {  	v3 =	vld [tilespmem:$0xB0];
	_ =	sdelay $0x4  }
0x97: {  	v55 =	vshll.u32 v3, $0x2  }
0x98: {  	v3 =	vand.u32 $0x7, v3;
	v4 =	vand.u32 $0xFFFFFFE0, v55  }
0x99: {  	v3 =	vor.u32 v3, v4  }
0x9a: {  	v4 =	vperm.xlane v3, v0;
	_ =	sdelay $0x1  }
0x9b: {  	v4 =	vadd.s32 v1, v4;
	_ =	sdelay $0x1  }
0x9c: {  	v3 =	vperm.xlane v3, v2;
	_ =	sdelay $0x1  }
0x9d: {  	s1 =	rddreg [dreg:$0x12];
	v3 =	vadd.s32 v1, v3  }
0x9e: {  	[tilespmem:s1], [sflag:$0x2] =	stream.indirect_vreg.gather [hbm4b:s4+s2], $0x80, v4, vm0, $0xb8;
	[tilespmem:$0x18200] =	vst v63  }
0x9f: {  	s3 =	rddreg [dreg:$0x13]  }
0xa0: {  	[tilespmem:s3], [sflag:$0x2] =	stream.indirect_vreg.gather [hbm4b:s5+s2], $0x80, v4, vm0, $0xb8;
	[tilespmem:$0x18200] =	vst v63  }
0xa1: {  	s1 =	rddreg [dreg:$0x14]  }
0xa2: {  	[tilespmem:s1], [sflag:$0x2] =	stream.indirect_vreg.gather [hbm4b:s4+s2], $0x80, v3, vm0, $0xb8;
	[tilespmem:$0x18200] =	vst v63  }
0xa3: {  	s3 =	rddreg [dreg:$0x15]  }
0xa4: {  	[tilespmem:s3], [sflag:$0x2] =	stream.indirect_vreg.gather [hbm4b:s5+s2], $0x80, v3, vm0, $0xb8;
	[tilespmem:$0x18200] =	vst v63  }
0xa5: {  	_ =	swait.ge [sflag:s25], $0x8000  }
0xa6: {  	s3 =	sld [smem:$0x7F8]  }
0xa7: {  	[sflag:s25] =	ssyncset.done $0x0  }
0xa8: {  	[sflag:s25] =	ssyncadd.s32 $0xFFFF8000  }
0xa9: {  	[hbm4b:s3+s2] =	stream.linear.scatter [tilespmem:s8], [sflag:$0x4], $0x8000, $0x38;
	[tilespmem:$0x18200] =	vst v63  }
0xaa: {  	v3 =	vld [tilespmem:$0x100];
	_ =	sdelay $0x4  }
0xab: {  	v56 =	vshll.u32 v3, $0x2  }
0xac: {  	v3 =	vand.u32 $0x7, v3;
	v4 =	vand.u32 $0xFFFFFFE0, v56  }
0xad: {  	v3 =	vor.u32 v3, v4  }
0xae: {  	v4 =	vperm.xlane v3, v0;
	_ =	sdelay $0x1  }
0xaf: {  	v4 =	vadd.s32 v1, v4;
	_ =	sdelay $0x1  }
0xb0: {  	v3 =	vperm.xlane v3, v2;
	_ =	sdelay $0x1  }
0xb1: {  	v3 =	vadd.s32 v1, v3  }
0xb2: {  	[tilespmem:s26], [sflag:$0x3] =	stream.indirect_vreg.gather [hbm4b:s4+s2], $0x80, v4, vm0, $0xb8;
	[tilespmem:$0x18200] =	vst v63  }
0xb3: {  	s1 =	rddreg [dreg:$0x16]  }
0xb4: {  	[tilespmem:s1], [sflag:$0x3] =	stream.indirect_vreg.gather [hbm4b:s5+s2], $0x80, v4, vm0, $0xb8;
	[tilespmem:$0x18200] =	vst v63  }
0xb5: {  	s3 =	rddreg [dreg:$0x17]  }
0xb6: {  	[tilespmem:s3], [sflag:$0x3] =	stream.indirect_vreg.gather [hbm4b:s4+s2], $0x80, v3, vm0, $0xb8;
	[tilespmem:$0x18200] =	vst v63  }
0xb7: {  	s1 =	rddreg [dreg:$0x18]  }
0xb8: {  	[tilespmem:s1], [sflag:$0x3] =	stream.indirect_vreg.gather [hbm4b:s5+s2], $0x80, v3, vm0, $0xb8;
	[tilespmem:$0x18200] =	vst v63  }
0xb9: {  	v3 =	vld [tilespmem:$0x110];
	_ =	sdelay $0x4  }
0xba: {  	v57 =	vshll.u32 v3, $0x2  }
0xbb: {  	v3 =	vand.u32 $0x7, v3;
	v4 =	vand.u32 $0xFFFFFFE0, v57  }
0xbc: {  	v3 =	vor.u32 v3, v4  }
0xbd: {  	v4 =	vperm.xlane v3, v0;
	_ =	sdelay $0x1  }
0xbe: {  	v4 =	vadd.s32 v1, v4;
	_ =	sdelay $0x1  }
0xbf: {  	v3 =	vperm.xlane v3, v2;
	_ =	sdelay $0x1  }
0xc0: {  	s1 =	rddreg [dreg:$0x19];
	v3 =	vadd.s32 v1, v3  }
0xc1: {  	[tilespmem:s1], [sflag:$0x3] =	stream.indirect_vreg.gather [hbm4b:s4+s2], $0x80, v4, vm0, $0xb8;
	[tilespmem:$0x18200] =	vst v63  }
0xc2: {  	s3 =	rddreg [dreg:$0x1a]  }
0xc3: {  	[tilespmem:s3], [sflag:$0x3] =	stream.indirect_vreg.gather [hbm4b:s5+s2], $0x80, v4, vm0, $0xb8;
	[tilespmem:$0x18200] =	vst v63  }
0xc4: {  	s1 =	rddreg [dreg:$0x1b]  }
0xc5: {  	[tilespmem:s1], [sflag:$0x3] =	stream.indirect_vreg.gather [hbm4b:s4+s2], $0x80, v3, vm0, $0xb8;
	[tilespmem:$0x18200] =	vst v63  }
0xc6: {  	s3 =	rddreg [dreg:$0x1c]  }
0xc7: {  	[tilespmem:s3], [sflag:$0x3] =	stream.indirect_vreg.gather [hbm4b:s5+s2], $0x80, v3, vm0, $0xb8;
	[tilespmem:$0x18200] =	vst v63  }
0xc8: {  	v3 =	vld [tilespmem:$0x120];
	_ =	sdelay $0x4  }
0xc9: {  	v58 =	vshll.u32 v3, $0x2  }
0xca: {  	v3 =	vand.u32 $0x7, v3;
	v4 =	vand.u32 $0xFFFFFFE0, v58  }
0xcb: {  	v3 =	vor.u32 v3, v4  }
0xcc: {  	v4 =	vperm.xlane v3, v0;
	_ =	sdelay $0x1  }
0xcd: {  	v4 =	vadd.s32 v1, v4;
	_ =	sdelay $0x1  }
0xce: {  	v3 =	vperm.xlane v3, v2  }
0xcf: {  	s1 =	rddreg [dreg:$0x1d]  }
0xd0: {  	s3 =	rddreg [dreg:$0x1e];
	v3 =	vadd.s32 v1, v3  }
0xd1: {  	[tilespmem:s1], [sflag:$0x3] =	stream.indirect_vreg.gather [hbm4b:s4+s2], $0x80, v4, vm0, $0xb8;
	[tilespmem:$0x18200] =	vst v63  }
0xd2: {  	s1 =	rddreg [dreg:$0x1f]  }
0xd3: {  	[tilespmem:s3], [sflag:$0x3] =	stream.indirect_vreg.gather [hbm4b:s5+s2], $0x80, v4, vm0, $0xb8;
	[tilespmem:$0x18200] =	vst v63  }
0xd4: {  	s3 =	sld [smem:$0x7F9]  }
0xd5: {  	[tilespmem:s1], [sflag:$0x3] =	stream.indirect_vreg.gather [hbm4b:s4+s2], $0x80, v3, vm0, $0xb8;
	[tilespmem:$0x18200] =	vst v63  }
0xd6: {  	_ = 	snop  }
0xd7: {  	[tilespmem:s3], [sflag:$0x3] =	stream.indirect_vreg.gather [hbm4b:s5+s2], $0x80, v3, vm0, $0xb8;
	[tilespmem:$0x18200] =	vst v63  }
0xd8: {  	v3 =	vld [tilespmem:$0x130];
	_ =	sdelay $0x4  }
0xd9: {  	v59 =	vshll.u32 v3, $0x2  }
0xda: {  	v3 =	vand.u32 $0x7, v3;
	v4 =	vand.u32 $0xFFFFFFE0, v59  }
0xdb: {  	v3 =	vor.u32 v3, v4  }
0xdc: {  	v4 =	vperm.xlane v3, v0;
	_ =	sdelay $0x1  }
0xdd: {  	v4 =	vadd.s32 v1, v4;
	_ =	sdelay $0x1  }
0xde: {  	s1 =	sld [smem:$0x7FA];
	v3 =	vperm.xlane v3, v2;
	_ =	sdelay $0x1  }
0xdf: {  	s3 =	sld [smem:$0x7FB];
	v3 =	vadd.s32 v1, v3  }
0xe0: {  	[tilespmem:s1], [sflag:$0x3] =	stream.indirect_vreg.gather [hbm4b:s4+s2], $0x80, v4, vm0, $0xb8;
	[tilespmem:$0x18200] =	vst v63  }
0xe1: {  	s1 =	sld [smem:$0x7FC]  }
0xe2: {  	[tilespmem:s3], [sflag:$0x3] =	stream.indirect_vreg.gather [hbm4b:s5+s2], $0x80, v4, vm0, $0xb8;
	[tilespmem:$0x18200] =	vst v63  }
0xe3: {  	s3 =	sld [smem:$0x7FD]  }
0xe4: {  	[tilespmem:s1], [sflag:$0x3] =	stream.indirect_vreg.gather [hbm4b:s4+s2], $0x80, v3, vm0, $0xb8;
	[tilespmem:$0x18200] =	vst v63  }
0xe5: {  	_ = 	snop  }
0xe6: {  	[tilespmem:s3], [sflag:$0x3] =	stream.indirect_vreg.gather [hbm4b:s5+s2], $0x80, v3, vm0, $0xb8;
	[tilespmem:$0x18200] =	vst v63  }
0xe7: {  	_ =	swait.ge [sflag:s28], $0x8000  }
0xe8: {  	[sflag:s28] =	ssyncset.done $0x0  }
0xe9: {  	s3 =	rddreg [dreg:$0x4];
	[sflag:s28] =	ssyncadd.s32 $0xFFFF8000  }
0xea: {  	[hbm4b:s3+s2] =	stream.linear.scatter [tilespmem:s24], [sflag:$0x5], $0x8000, $0x38;
	[tilespmem:$0x18200] =	vst v63  }
0xeb: {  	_ =	swait.ge [sflag:s29], $0x8000  }
0xec: {  	[sflag:s29] =	ssyncset.done $0x0  }
0xed: {  	[sflag:s29] =	ssyncadd.s32 $0xFFFF8000  }
0xee: {  	v3 =	vld [tilespmem:$0x180];
	_ =	sdelay $0x4  }
0xef: {  	v60 =	vshll.u32 v3, $0x2  }
0xf0: {  	v3 =	vand.u32 $0x7, v3;
	v4 =	vand.u32 $0xFFFFFFE0, v60  }
0xf1: {  	v3 =	vor.u32 v3, v4  }
0xf2: {  	v4 =	vperm.xlane v3, v0;
	_ =	sdelay $0x1  }
0xf3: {  	v4 =	vadd.s32 v1, v4;
	_ =	sdelay $0x1  }
0xf4: {  	v3 =	vperm.xlane v3, v2;
	_ =	sdelay $0x1  }
0xf5: {  	v3 =	vadd.s32 v1, v3  }
0xf6: {  	[tilespmem:s8], [sflag:$0x1] =	stream.indirect_vreg.gather [hbm4b:s4+s2], $0x80, v4, vm0, $0xb8;
	[tilespmem:$0x18200] =	vst v63  }
0xf7: {  	_ = 	snop  }
0xf8: {  	[tilespmem:s9], [sflag:$0x1] =	stream.indirect_vreg.gather [hbm4b:s5+s2], $0x80, v4, vm0, $0xb8;
	[tilespmem:$0x18200] =	vst v63  }
0xf9: {  	_ = 	snop  }
0xfa: {  	[tilespmem:s10], [sflag:$0x1] =	stream.indirect_vreg.gather [hbm4b:s4+s2], $0x80, v3, vm0, $0xb8;
	[tilespmem:$0x18200] =	vst v63  }
0xfb: {  	_ = 	snop  }
0xfc: {  	[tilespmem:s11], [sflag:$0x1] =	stream.indirect_vreg.gather [hbm4b:s5+s2], $0x80, v3, vm0, $0xb8;
	[tilespmem:$0x18200] =	vst v63  }
0xfd: {  	v3 =	vld [tilespmem:$0x190];
	_ =	sdelay $0x4  }
0xfe: {  	v61 =	vshll.u32 v3, $0x2  }
0xff: {  	v3 =	vand.u32 $0x7, v3;
	v4 =	vand.u32 $0xFFFFFFE0, v61  }
0x100: {  	v3 =	vor.u32 v3, v4  }
0x101: {  	v4 =	vperm.xlane v3, v0;
	_ =	sdelay $0x1  }
0x102: {  	v4 =	vadd.s32 v1, v4;
	_ =	sdelay $0x1  }
0x103: {  	v3 =	vperm.xlane v3, v2;
	_ =	sdelay $0x1  }
0x104: {  	v3 =	vadd.s32 v1, v3  }
0x105: {  	[tilespmem:s12], [sflag:$0x1] =	stream.indirect_vreg.gather [hbm4b:s4+s2], $0x80, v4, vm0, $0xb8;
	[tilespmem:$0x18200] =	vst v63  }
0x106: {  	_ = 	snop  }
0x107: {  	[tilespmem:s13], [sflag:$0x1] =	stream.indirect_vreg.gather [hbm4b:s5+s2], $0x80, v4, vm0, $0xb8;
	[tilespmem:$0x18200] =	vst v63  }
0x108: {  	_ = 	snop  }
0x109: {  	[tilespmem:s14], [sflag:$0x1] =	stream.indirect_vreg.gather [hbm4b:s4+s2], $0x80, v3, vm0, $0xb8;
	[tilespmem:$0x18200] =	vst v63  }
0x10a: {  	_ = 	snop  }
0x10b: {  	[tilespmem:s15], [sflag:$0x1] =	stream.indirect_vreg.gather [hbm4b:s5+s2], $0x80, v3, vm0, $0xb8;
	[tilespmem:$0x18200] =	vst v63  }
0x10c: {  	v3 =	vld [tilespmem:$0x1A0];
	_ =	sdelay $0x4  }
0x10d: {  	v62 =	vshll.u32 v3, $0x2  }
0x10e: {  	v3 =	vand.u32 $0x7, v3;
	v4 =	vand.u32 $0xFFFFFFE0, v62  }
0x10f: {  	v3 =	vor.u32 v3, v4  }
0x110: {  	v4 =	vperm.xlane v3, v0;
	_ =	sdelay $0x1  }
0x111: {  	v4 =	vadd.s32 v1, v4;
	_ =	sdelay $0x1  }
0x112: {  	v3 =	vperm.xlane v3, v2;
	_ =	sdelay $0x1  }
0x113: {  	v3 =	vadd.s32 v1, v3  }
0x114: {  	[tilespmem:s16], [sflag:$0x1] =	stream.indirect_vreg.gather [hbm4b:s4+s2], $0x80, v4, vm0, $0xb8;
	[tilespmem:$0x18200] =	vst v63  }
0x115: {  	_ = 	snop  }
0x116: {  	[tilespmem:s17], [sflag:$0x1] =	stream.indirect_vreg.gather [hbm4b:s5+s2], $0x80, v4, vm0, $0xb8;
	[tilespmem:$0x18200] =	vst v63  }
0x117: {  	_ = 	snop  }
0x118: {  	[tilespmem:s18], [sflag:$0x1] =	stream.indirect_vreg.gather [hbm4b:s4+s2], $0x80, v3, vm0, $0xb8;
	[tilespmem:$0x18200] =	vst v63  }
0x119: {  	_ = 	snop  }
0x11a: {  	[tilespmem:s19], [sflag:$0x1] =	stream.indirect_vreg.gather [hbm4b:s5+s2], $0x80, v3, vm0, $0xb8;
	[tilespmem:$0x18200] =	vst v63  }
0x11b: {  	v3 =	vld [tilespmem:$0x1B0];
	_ =	sdelay $0x4  }
0x11c: {  	v63 =	vshll.u32 v3, $0x2  }
0x11d: {  	v3 =	vand.u32 $0x7, v3;
	v4 =	vand.u32 $0xFFFFFFE0, v63  }
0x11e: {  	v3 =	vor.u32 v3, v4  }
0x11f: {  	v4 =	vperm.xlane v3, v0;
	_ =	sdelay $0x1  }
0x120: {  	v4 =	vadd.s32 v1, v4;
	_ =	sdelay $0x1  }
0x121: {  	v3 =	vperm.xlane v3, v2;
	_ =	sdelay $0x1  }
0x122: {  	v3 =	vadd.s32 v1, v3  }
0x123: {  	[tilespmem:s20], [sflag:$0x1] =	stream.indirect_vreg.gather [hbm4b:s4+s2], $0x80, v4, vm0, $0xb8;
	[tilespmem:$0x18200] =	vst v63  }
0x124: {  	_ = 	snop  }
0x125: {  	[tilespmem:s21], [sflag:$0x1] =	stream.indirect_vreg.gather [hbm4b:s5+s2], $0x80, v4, vm0, $0xb8;
	[tilespmem:$0x18200] =	vst v63  }
0x126: {  	_ = 	snop  }
0x127: {  	[tilespmem:s22], [sflag:$0x1] =	stream.indirect_vreg.gather [hbm4b:s4+s2], $0x80, v3, vm0, $0xb8;
	[tilespmem:$0x18200] =	vst v63  }
0x128: {  	_ = 	snop  }
0x129: {  	[tilespmem:s23], [sflag:$0x1] =	stream.indirect_vreg.gather [hbm4b:s5+s2], $0x80, v3, vm0, $0xb8;
	[tilespmem:$0x18200] =	vst v63  }
0x12a: {  	_ =	swait.ge [sflag:s30], $0x8000  }
0x12b: {  	[sflag:s30] =	ssyncset.done $0x0  }
0x12c: {  	s3 =	rddreg [dreg:$0x5];
	[sflag:s30] =	ssyncadd.s32 $0xFFFF8000  }
0x12d: {  	[hbm4b:s3+s2] =	stream.linear.scatter [tilespmem:s26], [sflag:$0x6], $0x8000, $0x38;
	[tilespmem:$0x18200] =	vst v63  }
0x12e: {  	_ =	swait.ge [sflag:s31], $0x8000  }
0x12f: {  	[sflag:s31] =	ssyncset.done $0x0  }
0x130: {  	[sflag:s31] =	ssyncadd.s32 $0xFFFF8000  }
0x131: {  	_ =	swait.ge [sflag:s25], $0x8000  }
0x132: {  	[sflag:s25] =	ssyncset.done $0x0  }
0x133: {  	s3 =	rddreg [dreg:$0x6];
	[sflag:s25] =	ssyncadd.s32 $0xFFFF8000  }
0x134: {  	[hbm4b:s3+s2] =	stream.linear.scatter [tilespmem:s8], [sflag:$0x4], $0x8000, $0x38;
	[tilespmem:$0x18200] =	vst v63  }
0x135: {  	p0 =	sne.s32 s6, $0x1;
	_ =	swait.ge [sflag:s0], $0x8000  }
.Ltmp0:
0x136: {  	[sflag:s0] =	ssyncset.done $0x0;
	(pc) =	sbr.rel @p0 .LBB2_1-.Ltmp0, $4  }
0x137: {  	[sflag:s0] =	ssyncadd.s32 $0xFFFF8000  }
0x138: {  	_ =	swait.ge [sflag:s29], $0x8000  }
0x139: {  	[sflag:s29] =	ssyncset.done $0x0  }
0x13a: {  	s6 =	sadd.s32 $0xFFFFFFFF, s6;
	[sflag:s29] =	ssyncadd.s32 $0xFFFF8000  }
0x13b: {  	_ =	sfence.sel $0x180000  }
0x13c: {  	[bflag:$0x0] =	sbarrier.arrive $0xFFFF  }
0x13d: {  	_ =	strace $0x9000004A  }
0x13e: {  	s0 =	stileid.u32;
	[bflag:$0x2] =	sbarrier.arrive $0xFFFF  }
0x13f: {  	p0 =	sne.s32 s0, $0x0;
	s0 =	rddreg [dreg:$0x2]  }
0x140: {  	s0 =	sadd.s32 @!p0 $0x100000, s0  }
0x141: {  	[sflag:s0] =	ssyncadd.tile.s32 @!p0 $0x1;
	_ =	shalt  }
.Lfunc_end2:
_tile_overlayer_lowered:
.L_overlay_start_2:
0x142: {  	(tag) =	ssettag $0x2  }
0x143: {  	s0 =	rddreg [dreg:$0x0];
	s2 =	stileid.u32  }
0x144: {  	s1 =	rddreg [dreg:$0x1];
	p0 =	sne.s32 s2, $0x0  }
0x145: {  	s3 =	rddreg [dreg:$0x2];
	[bflag:$0x3] =	sbarrier.arrive $0xFFFF;
	s2 =	simm.s32 @!p0 $0x1C07  }
0x146: {  	[timem:s3], [sflag:s2] =	dma.local @!p0 [hbm:s0], s1  }
0x147: {  	s0 =	simm.s32 @!p0 $0x7  }
0x148: {  	_ =	swait.ge @!p0 [sflag:s0], s1  }
0x149: {  	s1 =	ssub.s32 @!p0 $0x0, s1;
	[sflag:s0] =	ssyncset.done @!p0 $0x0  }
0x14a: {  	[sflag:s0] =	ssyncadd.s32 @!p0 s1  }
0x14b: {  	[bflag:$0x3] =	sbarrier.arrive $0xFFFF  }
0x14c: {  	_ =	shalt  }

// kernel: kernel.7.cloned.1.call-start
scs
__scs_entry_jumppad:
0x0: {  	(pc) =	sbr.rel $0x88, $3  }
0x1: {  	(tag) =	ssettag $0x0;
	lr =	simm.s32 $0x1  }
0x2: {  	[smem:$0x3F9A] =	sst lr;
	_ =	strace $0xD0000000  }
0x3: {  	_ = 	snop  }
0x4: {  	_ = 	snop  }
0x5: {  	_ = 	snop  }
0x6: {  	_ = 	snop  }
0x7: {  	_ = 	snop  }
__scs_overlays_trampoline_lowered:
0x8: {  	[smem:$0x3FA9] =	sst s0  }
0x9: {  	[smem:$0x3FAA] =	sst s1  }
0xa: {  	[smem:$0x3FAB] =	sst s2  }
0xb: {  	[smem:$0x3FAC] =	sst s3  }
0xc: {  	[smem:$0x3FAD] =	sst s4  }
0xd: {  	[smem:$0x3FAE] =	sst s5  }
0xe: {  	[smem:$0x3FAF] =	sst s6  }
0xf: {  	[smem:$0x3FB0] =	sst s7  }
0x10: {  	[smem:$0x3FB1] =	sst s8  }
0x11: {  	[smem:$0x3FB2] =	sst s9;
	s0 =	simm.s32 @!p0 $0x0  }
0x12: {  	s1 =	sld [smem:$0x3F98];
	s0 =	simm.s32 @p0 $0x1  }
0x13: {  	[smem:$0x3FB3] =	sst s0;
	s0 =	simm.s32 @!p1 $0x0  }
0x14: {  	s2 =	sld [smem:$0x3F97];
	s0 =	simm.s32 @p1 $0x1  }
0x15: {  	[smem:$0x3FB4] =	sst s0;
	s0 =	simm.s32 @!p2 $0x0  }
0x16: {  	s3 =	sld [smem:$0x3FDB];
	s0 =	simm.s32 @p2 $0x1  }
0x17: {  	s4 =	simm.s32 $0x1BF5;
	[smem:$0x3FB6] =	sst s0  }
0x18: {  	s0 =	sld [smem:$0x3F99];
	_ =	swait.ge [sflag:s4], $0x0  }
0x19: {  	s7 =	sld [smem:$0x3F9A]  }
0x1a: {  	s8 =	sadd.s32 $0xFFFFE003, lr  }
0x1b: {  	s9 =	sadd.s32 $0xFFFFFEF7, lr;
	s5 =	simm.s32 $0xFFFFFFFF;
	p2 =	slt.u32 s8, $0xFFFFF086  }
0x1c: {  	p1 =	slt.u32 s9, $0xF7A;
	s5 =	simm.s32 @!p2 $0x0  }
0x1d: {  	s5 =	simm.s32 @p1 $0x1;
	p0 =	seq.s32 s7, s2  }
0x1e: {  	s7 =	smul.u32 @!p0 $0xF7A, s2;
	p2 =	seq.s32 @!p0 s5, $0x0  }
0x1f: {  	s9 =	smul.u32 $0xF7A, s1;
	s8 =	simm.s32 @!p0 $0x1BF5;
	p2 =	por !p2, p0  }
0x20: {  	[sflag:s8] =	ssyncset.s32 @!p0 $0xFFFFF086;
	s6 =	sadd.s32 @!p0 s3, s7;
	s7 =	simm.s32 @!p0 $0x108  }
0x21: {  	s3 =	sadd.s32 s3, s9;
	s6 =	sadd.s32 @!p0 $0x88, s6;
	s7 =	simm.s32 @p2 $0x1082  }
0x22: {  	[simem:s7], [sflag:s8] =	dma.local @!p0 [hbm:s6], $0xF7A  }
0x23: {  	s9 =	sor.u32 $0xD0000000, s2;
	s6 =	simm.s32 $0x108;
	_ =	swait.ge @!p0 [sflag:s8], $0x0  }
0x24: {  	s3 =	sadd.s32 $0x88, s3;
	s6 =	simm.s32 @!p1 $0x1082;
	[sflag:s4] =	ssyncset.s32 $0xFFFFF086  }
0x25: {  	[simem:s6], [sflag:s4] =	dma.local [hbm:s3], $0xF7A  }
0x26: {  	[smem:$0x3F9A] =	sst s1;
	(tag) =	ssettag s2;
	_ =	strace s9  }
0x27: {  	s1 =	sld [smem:$0x3FAA]  }
0x28: {  	s2 =	sld [smem:$0x3FAB]  }
0x29: {  	s4 =	sld [smem:$0x3FAD]  }
0x2a: {  	p0 =	seq.s32 s5, $0x0;
	s5 =	sld [smem:$0x3FAE]  }
0x2b: {  	s6 =	sld [smem:$0x3FAF]  }
0x2c: {  	s7 =	sld [smem:$0x3FB0]  }
0x2d: {  	s3 =	simm.s32 $0x108;
	s8 =	sld [smem:$0x3FB1]  }
0x2e: {  	s3 =	simm.s32 @!p0 $0x1082;
	s9 =	sld [smem:$0x3FB2]  }
0x2f: {  	lr =	sadd.s32 s0, s3;
	s0 =	sld [smem:$0x3FA9]  }
0x30: {  	s3 =	sld [smem:$0x3FAC]  }
0x31: {  	[smem:$0x3FB5] =	sst s10  }
0x32: {  	s10 =	sld [smem:$0x3FB3];
	_ =	sdelay $0x3  }
0x33: {  	p0 =	seq.s32 s10, $0x1;
	s10 =	sld [smem:$0x3FB5];
	_ =	sdelay $0x3  }
0x34: {  	[smem:$0x3FB5] =	sst s10  }
0x35: {  	s10 =	sld [smem:$0x3FB4];
	_ =	sdelay $0x3  }
0x36: {  	p1 =	seq.s32 s10, $0x1;
	s10 =	sld [smem:$0x3FB5];
	_ =	sdelay $0x3  }
0x37: {  	[smem:$0x3FB5] =	sst s10  }
0x38: {  	s10 =	sld [smem:$0x3FB6]  }
0x39: {  	_ = 	snop;
	(pc) =	sbr.ind lr, $3  }
0x3a: {  	_ = 	snop  }
0x3b: {  	_ = 	snop  }
0x3c: {  	p2 =	seq.s32 s10, $0x1;
	s10 =	sld [smem:$0x3FB5]  }
0x3d: {  	_ =	shalt  }
0x3e: {  	_ =	shalt  }
0x3f: {  	_ =	shalt  }
0x40: {  	_ =	shalt  }
0x41: {  	_ =	shalt  }
0x42: {  	_ =	shalt  }
0x43: {  	_ =	shalt  }
0x44: {  	_ =	shalt  }
0x45: {  	_ =	shalt  }
0x46: {  	_ =	shalt  }
0x47: {  	_ =	shalt  }
0x48: {  	_ =	shalt  }
0x49: {  	_ =	shalt  }
0x4a: {  	_ =	shalt  }
0x4b: {  	_ =	shalt  }
0x4c: {  	_ =	shalt  }
0x4d: {  	_ =	shalt  }
0x4e: {  	_ =	shalt  }
0x4f: {  	_ =	shalt  }
0x50: {  	_ =	shalt  }
0x51: {  	_ =	shalt  }
0x52: {  	_ =	shalt  }
0x53: {  	_ =	shalt  }
0x54: {  	_ =	shalt  }
0x55: {  	_ =	shalt  }
0x56: {  	_ =	shalt  }
0x57: {  	_ =	shalt  }
0x58: {  	_ =	shalt  }
0x59: {  	_ =	shalt  }
0x5a: {  	_ =	shalt  }
0x5b: {  	_ =	shalt  }
0x5c: {  	_ =	shalt  }
0x5d: {  	_ =	shalt  }
0x5e: {  	_ =	shalt  }
0x5f: {  	_ =	shalt  }
0x60: {  	_ =	shalt  }
0x61: {  	_ =	shalt  }
0x62: {  	_ =	shalt  }
0x63: {  	_ =	shalt  }
0x64: {  	_ =	shalt  }
0x65: {  	_ =	shalt  }
0x66: {  	_ =	shalt  }
0x67: {  	_ =	shalt  }
0x68: {  	_ =	shalt  }
0x69: {  	_ =	shalt  }
0x6a: {  	_ =	shalt  }
0x6b: {  	_ =	shalt  }
0x6c: {  	_ =	shalt  }
0x6d: {  	_ =	shalt  }
0x6e: {  	_ =	shalt  }
0x6f: {  	_ =	shalt  }
0x70: {  	_ =	shalt  }
0x71: {  	_ =	shalt  }
0x72: {  	_ =	shalt  }
0x73: {  	_ =	shalt  }
0x74: {  	_ =	shalt  }
0x75: {  	_ =	shalt  }
0x76: {  	_ =	shalt  }
0x77: {  	_ =	shalt  }
0x78: {  	_ =	shalt  }
0x79: {  	_ =	shalt  }
0x7a: {  	_ =	shalt  }
0x7b: {  	_ =	shalt  }
0x7c: {  	_ =	shalt  }
0x7d: {  	_ =	shalt  }
0x7e: {  	_ =	shalt  }
0x7f: {  	_ =	shalt  }
0x80: {  	_ =	shalt  }
0x81: {  	_ =	shalt  }
0x82: {  	_ =	shalt  }
0x83: {  	_ =	shalt  }
0x84: {  	_ =	shalt  }
0x85: {  	_ =	shalt  }
0x86: {  	_ =	shalt  }
0x87: {  	_ =	shalt  }
.Lfunc_end0:
.L_simem_size_0:
called_computation_lowered:
.L_overlay_start_0:
0x88: {  	s2 =	sld [smem:$0x3FD9]  }
0x89: {  	s3 =	sld [smem:$0x3FFE];
	_ =	sdelay $0x1  }
0x8a: {  	s1 =	srdreg.scid  }
0x8b: {  	s0 =	sand.u32 $0x1, s1  }
0x8c: {  	s17 =	sshll.u32 s0, $0xA;
	s2 =	sadd.s32 s3, s2  }
0x8d: {  	s2 =	sadd.s32 s2, s17  }
0x8e: {  	[smem:$0x3FC1] =	sst s2  }
0x8f: {  	_ = 	snop  }
0x90: {  	s2 =	sld [smem:$0x3FD0];
	(tm) =	ssettm $0x1  }
0x91: {  	s18 =	sld [smem:$0x3FFB];
	_ =	sdelay $0x3  }
0x92: {  	_ =	strace s18  }
0x93: {  	s3 =	sld [smem:$0x3FFC];
	_ =	sdelay $0x3  }
0x94: {  	_ =	strace s3  }
0x95: {  	s3 =	sld [smem:$0x3FFD];
	_ =	sdelay $0x3  }
0x96: {  	_ =	strace s3  }
0x97: {  	_ =	strace $0x8FFFFFFF  }
0x98: {  	s19 =	sld [smem:$0x3FDB];
	_ =	sdelay $0x1  }
0x99: {  	s4 =	simm.s32 $_scs_section_size  }
0x9a: {  	s5 =	simm.s32 $_size__tile_overlayer_lowered;
	s6 =	simm.s32 $_tile_overlayer_lowered  }
0x9b: {  	s22 =	simm.s32 $0x1BFF;
	s21 =	sshll.u32 s6, $0x1;
	s3 =	sadd.s32 s4, s19  }
0x9c: {  	s7 =	simm.s32 $0x0;
	s20 =	sshll.u32 s5, $0x1;
	s5 =	sadd.s32 s21, s3  }
0x9d: {  	[timem:s7], [sflag:s22] =	dma.local [hbm:s5], s20  }
0x9e: {  	_ =	swait.ge [sflag:s22], s20  }
0x9f: {  	s4 =	ssub.s32 $0x0, s20;
	[sflag:s22] =	ssyncset.done $0x0  }
0xa0: {  	[sflag:s22] =	ssyncadd.s32 s4;
	_ =	sdelay $0x1  }
0xa1: {  	s23 =	simm.s32 $0x1B8B  }
0xa2: {  	_ =	swait.ge [sflag:s23], $0x1  }
0xa3: {  	[sflag:s23] =	ssyncset.done $0x0  }
0xa4: {  	s25 =	simm.s32 $0x1B8E;
	s24 =	sld [smem:$0x3FFE];
	[sflag:s23] =	ssyncadd.s32 $0xFFFFFFFF  }
0xa5: {  	s26 =	simm.s32 $execute0_lowered;
	[smem:$0x3FD2] =	sst s25  }
0xa6: {  	s5 =	sshll.u32 s26, $0x1;
	_ =	strace $0x80000046;
	[dreg:$0x1] =	wrdreg $0xFFFFFFFF  }
0xa7: {  	s28 =	simm.s32 $_size_execute0_lowered;
	s3 =	sadd.s32 s3, s5;
	[dreg:$0x0] =	wrdreg $0x0  }
0xa8: {  	s5 =	sshll.u32 s28, $0x1;
	[dreg:$0x2] =	wrdreg s3  }
0xa9: {  	[dreg:$0x3] =	wrdreg s5  }
0xaa: {  	[dreg:$0x4] =	wrdreg $0xC0  }
0xab: {  	_ =	task [dreg:s7], $0x5FFFF  }
0xac: {  	[dreg:$0x1] =	wrdreg $0xFFFFFFFF  }
0xad: {  	[dreg:$0x0] =	wrdreg $0x60  }
0xae: {  	[dreg:$0x2] =	wrdreg s24  }
0xaf: {  	[dreg:$0x3] =	wrdreg s2  }
0xb0: {  	[dreg:$0x4] =	wrdreg $0x9  }
0xb1: {  	_ =	task.clear_ibuf [dreg:s7], $0x5FFFF;
	_ =	strace $0x90000046  }
0xb2: {  	s29 =	simm.s32 $0x9;
	_ =	strace $0x80000048  }
0xb3: {  	_ =	swait.ge [sflag:s29], $0x1  }
0xb4: {  	[sflag:s29] =	ssyncadd.s32 $0xFFFFFFFF  }
0xb5: {  	_ =	strace $0x90000048  }
0xb6: {  	_ =	sfence  }
0xb7: {  	s30 =	sld [smem:$0x0];
	_ =	sdelay $0x2  }
0xb8: {  	s31 =	sshll.u32 s1, $0xD;
	s1 =	sshrl.u32 s1, $0x2  }
0xb9: {  	s3 =	sand.u32 $0x4000, s31;
	s1 =	sadd.s32 s1, s30  }
0xba: {  	s0 =	sor.u32 s3, s0;
	s1 =	sshll.u32 s1, $0x11  }
0xbb: {  	s0 =	sor.u32 s1, s0  }
0xbc: {  	s0 =	sadd.s32 $0x8F2B, s0  }
0xbd: {  	[sflag:s0] =	ssyncadd.remote.s32 $0x1  }
0xbe: {  	_ =	sfence.sel $0xFFFF  }
0xbf: {  	[dreg:$0x0] =	wrdreg $0xFFFFFFFF;
	(pc) =	sbr.abs _section_cstart, $3  }
0xc0: {  	[dreg:$0x1] =	wrdreg $0xFFFFFFFF  }
0xc1: {  	_ =	task.clear_ibuf [dreg:s7], $0x2FFFF;
	_ =	strace $0x9FFFFFFF  }
0xc2: {  	(tm) =	ssettm $0x7FFFFFFF  }
0xc3: {  	_ =	shalt  }
tec
execute0_lowered:
.L_overlay_start_1:
0x0: {  	(tag) =	ssettag $0x1  }
0x1: {  	s0 =	rddreg [dreg:$0x0]  }
0x2: {  	s3 =	rddreg [dreg:$0x1];
	s2 =	srdreg.scid  }
0x3: {  	s1 =	stileid.u32;
	s5 =	sand.u32 $0x1, s2;
	s2 =	simm.s32 $0x0  }
0x4: {  	s17 =	simm.s32 $0x8A00;
	s18 =	simm.s32 $0x9200;
	[smem:$0x7FF] =	sst s2  }
0x5: {  	s19 =	simm.s32 $0x9A00;
	_ =	strace $0x80000047;
	[dreg:$0x7] =	wrdreg s17  }
0x6: {  	s20 =	simm.s32 $0xA200;
	s21 =	simm.s32 $0xAA00;
	[dreg:$0x8] =	wrdreg s18  }
0x7: {  	s22 =	simm.s32 $0xB200;
	s23 =	simm.s32 $0xBA00;
	[dreg:$0x9] =	wrdreg s19  }
0x8: {  	s24 =	simm.s32 $0xC200;
	s25 =	simm.s32 $0xCA00;
	[dreg:$0xa] =	wrdreg s20  }
0x9: {  	s8 =	simm.s32 $0xE200;
	s9 =	simm.s32 $0xEA00;
	[dreg:$0xb] =	wrdreg s21  }
0xa: {  	s10 =	simm.s32 $0xF200;
	s11 =	simm.s32 $0xFA00;
	[dreg:$0xc] =	wrdreg s22  }
0xb: {  	s12 =	simm.s32 $0x10A00;
	s13 =	simm.s32 $0x11200;
	[dreg:$0xd] =	wrdreg s23  }
0xc: {  	s28 =	simm.s32 $0x2;
	s4 =	sshll.u32 s1, $0x1;
	[dreg:$0xe] =	wrdreg s24  }
0xd: {  	s7 =	sshll.u32 s1, $0x7;
	s1 =	simm.s32 $0xD200;
	[dreg:$0xf] =	wrdreg s25  }
0xe: {  	s29 =	simm.s32 $0x4;
	s30 =	simm.s32 $0x3;
	[dreg:$0x10] =	wrdreg s1  }
0xf: {  	s31 =	simm.s32 $0x5;
	s6 =	sshll.u32 s5, $0x6;
	[dreg:$0x12] =	wrdreg s8  }
0x10: {  	s4 =	sand.u32 $0xE, s4;
	s6 =	sadd.s32 s6, s0;
	[dreg:$0x13] =	wrdreg s9  }
0x11: {  	s4 =	sor.u32 s5, s4;
	s5 =	ssub.s32 $0x2, s5;
	[dreg:$0x14] =	wrdreg s10  }
0x12: {  	s8 =	simm.s32 $0x200;
	s9 =	simm.s32 $0x8200;
	[dreg:$0x15] =	wrdreg s11  }
0x13: {  	s10 =	simm.s32 $0x1;
	[dreg:$0x16] =	wrdreg s12;
	s11 =	simm.s32 $0xA00  }
0x14: {  	[dreg:$0x17] =	wrdreg s13;
	s12 =	simm.s32 $0x1200;
	s13 =	simm.s32 $0x1A00  }
0x15: {  	s17 =	simm.s32 $0x13200;
	s18 =	simm.s32 $0x13A00;
	s19 =	simm.s32 $0x14200  }
0x16: {  	s20 =	simm.s32 $0x14A00;
	s21 =	simm.s32 $0x15200;
	[dreg:$0x1b] =	wrdreg s17  }
0x17: {  	s22 =	simm.s32 $0x15A00;
	s23 =	simm.s32 $0x16200;
	[dreg:$0x1c] =	wrdreg s18  }
0x18: {  	s24 =	simm.s32 $0x16A00;
	s25 =	simm.s32 $0x17200;
	[dreg:$0x1d] =	wrdreg s19  }
0x19: {  	s6 =	sadd.s32 s7, s6;
	s4 =	sshll.u32 s4, $0xE;
	[dreg:$0x1e] =	wrdreg s20  }
0x1a: {  	s26 =	sshrl.u32 s5, $0x1;
	s17 =	simm.s32 $0x3A00;
	[dreg:$0x1f] =	wrdreg s21  }
0x1b: {  	s18 =	simm.s32 $0x4200;
	s19 =	simm.s32 $0x4A00;
	[smem:$0x7F9] =	sst s22  }
0x1c: {  	s20 =	simm.s32 $0x5200;
	s21 =	simm.s32 $0x5A00;
	[smem:$0x7FA] =	sst s23  }
0x1d: {  	s22 =	simm.s32 $0x6200;
	[smem:$0x7FB] =	sst s24;
	s23 =	simm.s32 $0x6A00  }
0x1e: {  	[smem:$0x7FC] =	sst s25;
	s24 =	simm.s32 $0x7200;
	s6 =	sadd.s32 $0x1800, s6  }
0x1f: {  	s25 =	simm.s32 $0x7A00;
	s14 =	sadd.s32 s3, s4;
	[dreg:$0x3] =	wrdreg s6  }
0x20: {  	s7 =	ssub.s32 s5, s26;
	s3 =	simm.s32 $0xDA00;
	[smem:$0x7F8] =	sst s14  }
0x21: {  	s5 =	sadd.s32 $0x2100, s0;
	s26 =	simm.s32 $0x17A00;
	[dreg:$0x11] =	wrdreg s3  }
0x22: {  	s4 =	sadd.s32 $0x1000, s14;
	s15 =	sadd.s32 $0x2000, s14;
	[smem:$0x7FD] =	sst s26  }
0x23: {  	s16 =	sadd.s32 $0x3000, s14;
	s6 =	smax.u32 s7, $0x1;
	[dreg:$0x4] =	wrdreg s4  }
0x24: {  	s7 =	simm.s32 $0x7;
	s14 =	simm.s32 $0x11A00;
	[dreg:$0x5] =	wrdreg s15  }
0x25: {  	s26 =	simm.s32 $0x10200;
	[dreg:$0x6] =	wrdreg s16;
	s4 =	sadd.s32 $0x2000, s0  }
0x26: {  	v2 =	vlaneseq.u32;
	[dreg:$0x18] =	wrdreg s14;
	s15 =	simm.s32 $0x12200;
	s16 =	simm.s32 $0x12A00  }
0x27: {  	vm0 =	vmmov $0xffff;
	v1 =	vshrl.u32 v2, $0x3;
	s14 =	simm.s32 $0x2200;
	s0 =	simm.s32 $0x6;
	[dreg:$0x19] =	wrdreg s15  }
0x28: {  	v0 =	vand.u32 $0x7, v2;
	v2 =	vor.u32 $0x8, v2;
	v1 =	vmul.u32 $0x8, v1;
	[dreg:$0x1a] =	wrdreg s16;
	s15 =	simm.s32 $0x2A00;
	s16 =	simm.s32 $0x3200  }
.LBB2_1:
0x29: {  	s1 =	rddreg [dreg:$0x3]  }
0x2a: {  	[tilespmem:s2], [sflag:$0x7] =	stream.linear.gather [hbm4b:s1+s2], $0x200, $0x38;
	[tilespmem:$0x18200] =	vst v63  }
0x2b: {  	_ =	swait.ge [sflag:s7], $0x200  }
0x2c: {  	s3 =	sld [smem:$0x7F8]  }
0x2d: {  	[sflag:s7] =	ssyncset.done $0x0  }
0x2e: {  	[sflag:s7] =	ssyncadd.s32 $0xFFFFFE00  }
0x2f: {  	[tilespmem:s8], [sflag:$0x1] =	stream.linear.gather [hbm4b:s3+s2], $0x8000, $0x38;
	[tilespmem:$0x18200] =	vst v63  }
0x30: {  	s1 =	rddreg [dreg:$0x4]  }
0x31: {  	[tilespmem:s9], [sflag:$0x2] =	stream.linear.gather [hbm4b:s1+s2], $0x8000, $0x38;
	[tilespmem:$0x18200] =	vst v63  }
0x32: {  	_ =	swait.ge [sflag:s10], $0x8000  }
0x33: {  	[sflag:s10] =	ssyncset.done $0x0  }
0x34: {  	[sflag:s10] =	ssyncadd.s32 $0xFFFF8000  }
0x35: {  	v3 =	vld [tilespmem:$0x0];
	_ =	sdelay $0x4  }
0x36: {  	v4 =	vshll.u32 v3, $0x2  }
0x37: {  	v3 =	vand.u32 $0x7, v3;
	v4 =	vand.u32 $0xFFFFFFE0, v4  }
0x38: {  	v3 =	vor.u32 v3, v4  }
0x39: {  	v4 =	vperm.xlane v3, v0;
	_ =	sdelay $0x1  }
0x3a: {  	v4 =	vadd.s32 v1, v4;
	_ =	sdelay $0x1  }
0x3b: {  	v3 =	vperm.xlane v3, v2;
	_ =	sdelay $0x1  }
0x3c: {  	v3 =	vadd.s32 v1, v3  }
0x3d: {  	[hbm4b:s4+s2] =	stream.indirect_vreg.scatter [tilespmem:s8], [sflag:$0x4], $0x80, v4, vm0, $0xb8;
	[tilespmem:$0x18200] =	vst v63  }
0x3e: {  	_ = 	snop  }
0x3f: {  	[hbm4b:s5+s2] =	stream.indirect_vreg.scatter [tilespmem:s11], [sflag:$0x4], $0x80, v4, vm0, $0xb8;
	[tilespmem:$0x18200] =	vst v63  }
0x40: {  	_ = 	snop  }
0x41: {  	[hbm4b:s4+s2] =	stream.indirect_vreg.scatter [tilespmem:s12], [sflag:$0x4], $0x80, v3, vm0, $0xb8;
	[tilespmem:$0x18200] =	vst v63  }
0x42: {  	_ = 	snop  }
0x43: {  	[hbm4b:s5+s2] =	stream.indirect_vreg.scatter [tilespmem:s13], [sflag:$0x4], $0x80, v3, vm0, $0xb8;
	[tilespmem:$0x18200] =	vst v63  }
0x44: {  	v3 =	vld [tilespmem:$0x10];
	_ =	sdelay $0x4  }
0x45: {  	v49 =	vshll.u32 v3, $0x2  }
0x46: {  	v3 =	vand.u32 $0x7, v3;
	v4 =	vand.u32 $0xFFFFFFE0, v49  }
0x47: {  	v3 =	vor.u32 v3, v4  }
0x48: {  	v4 =	vperm.xlane v3, v0;
	_ =	sdelay $0x1  }
0x49: {  	v4 =	vadd.s32 v1, v4;
	_ =	sdelay $0x1  }
0x4a: {  	v3 =	vperm.xlane v3, v2;
	_ =	sdelay $0x1  }
0x4b: {  	v3 =	vadd.s32 v1, v3  }
0x4c: {  	[hbm4b:s4+s2] =	stream.indirect_vreg.scatter [tilespmem:s14], [sflag:$0x4], $0x80, v4, vm0, $0xb8;
	[tilespmem:$0x18200] =	vst v63  }
0x4d: {  	_ = 	snop  }
0x4e: {  	[hbm4b:s5+s2] =	stream.indirect_vreg.scatter [tilespmem:s15], [sflag:$0x4], $0x80, v4, vm0, $0xb8;
	[tilespmem:$0x18200] =	vst v63  }
0x4f: {  	_ = 	snop  }
0x50: {  	[hbm4b:s4+s2] =	stream.indirect_vreg.scatter [tilespmem:s16], [sflag:$0x4], $0x80, v3, vm0, $0xb8;
	[tilespmem:$0x18200] =	vst v63  }
0x51: {  	_ = 	snop  }
0x52: {  	[hbm4b:s5+s2] =	stream.indirect_vreg.scatter [tilespmem:s17], [sflag:$0x4], $0x80, v3, vm0, $0xb8;
	[tilespmem:$0x18200] =	vst v63  }
0x53: {  	v3 =	vld [tilespmem:$0x20];
	_ =	sdelay $0x4  }
0x54: {  	v50 =	vshll.u32 v3, $0x2  }
0x55: {  	v3 =	vand.u32 $0x7, v3;
	v4 =	vand.u32 $0xFFFFFFE0, v50  }
0x56: {  	v3 =	vor.u32 v3, v4  }
0x57: {  	v4 =	vperm.xlane v3, v0;
	_ =	sdelay $0x1  }
0x58: {  	v4 =	vadd.s32 v1, v4;
	_ =	sdelay $0x1  }
0x59: {  	v3 =	vperm.xlane v3, v2;
	_ =	sdelay $0x1  }
0x5a: {  	v3 =	vadd.s32 v1, v3  }
0x5b: {  	[hbm4b:s4+s2] =	stream.indirect_vreg.scatter [tilespmem:s18], [sflag:$0x4], $0x80, v4, vm0, $0xb8;
	[tilespmem:$0x18200] =	vst v63  }
0x5c: {  	_ = 	snop  }
0x5d: {  	[hbm4b:s5+s2] =	stream.indirect_vreg.scatter [tilespmem:s19], [sflag:$0x4], $0x80, v4, vm0, $0xb8;
	[tilespmem:$0x18200] =	vst v63  }
0x5e: {  	_ = 	snop  }
0x5f: {  	[hbm4b:s4+s2] =	stream.indirect_vreg.scatter [tilespmem:s20], [sflag:$0x4], $0x80, v3, vm0, $0xb8;
	[tilespmem:$0x18200] =	vst v63  }
0x60: {  	_ = 	snop  }
0x61: {  	[hbm4b:s5+s2] =	stream.indirect_vreg.scatter [tilespmem:s21], [sflag:$0x4], $0x80, v3, vm0, $0xb8;
	[tilespmem:$0x18200] =	vst v63  }
0x62: {  	v3 =	vld [tilespmem:$0x30];
	_ =	sdelay $0x4  }
0x63: {  	v51 =	vshll.u32 v3, $0x2  }
0x64: {  	v3 =	vand.u32 $0x7, v3;
	v4 =	vand.u32 $0xFFFFFFE0, v51  }
0x65: {  	v3 =	vor.u32 v3, v4  }
0x66: {  	v4 =	vperm.xlane v3, v0;
	_ =	sdelay $0x1  }
0x67: {  	v4 =	vadd.s32 v1, v4;
	_ =	sdelay $0x1  }
0x68: {  	v3 =	vperm.xlane v3, v2;
	_ =	sdelay $0x1  }
0x69: {  	v3 =	vadd.s32 v1, v3  }
0x6a: {  	[hbm4b:s4+s2] =	stream.indirect_vreg.scatter [tilespmem:s22], [sflag:$0x4], $0x80, v4, vm0, $0xb8;
	[tilespmem:$0x18200] =	vst v63  }
0x6b: {  	_ = 	snop  }
0x6c: {  	[hbm4b:s5+s2] =	stream.indirect_vreg.scatter [tilespmem:s23], [sflag:$0x4], $0x80, v4, vm0, $0xb8;
	[tilespmem:$0x18200] =	vst v63  }
0x6d: {  	_ = 	snop  }
0x6e: {  	[hbm4b:s4+s2] =	stream.indirect_vreg.scatter [tilespmem:s24], [sflag:$0x4], $0x80, v3, vm0, $0xb8;
	[tilespmem:$0x18200] =	vst v63  }
0x6f: {  	_ = 	snop  }
0x70: {  	[hbm4b:s5+s2] =	stream.indirect_vreg.scatter [tilespmem:s25], [sflag:$0x4], $0x80, v3, vm0, $0xb8;
	[tilespmem:$0x18200] =	vst v63  }
0x71: {  	s3 =	rddreg [dreg:$0x5]  }
0x72: {  	[tilespmem:s26], [sflag:$0x3] =	stream.linear.gather [hbm4b:s3+s2], $0x8000, $0x38;
	[tilespmem:$0x18200] =	vst v63  }
0x73: {  	_ =	swait.ge [sflag:s28], $0x8000  }
0x74: {  	[sflag:s28] =	ssyncset.done $0x0  }
0x75: {  	[sflag:s28] =	ssyncadd.s32 $0xFFFF8000  }
0x76: {  	v3 =	vld [tilespmem:$0x80];
	_ =	sdelay $0x4  }
0x77: {  	v52 =	vshll.u32 v3, $0x2  }
0x78: {  	v3 =	vand.u32 $0x7, v3;
	v4 =	vand.u32 $0xFFFFFFE0, v52  }
0x79: {  	v3 =	vor.u32 v3, v4  }
0x7a: {  	v4 =	vperm.xlane v3, v0;
	_ =	sdelay $0x1  }
0x7b: {  	v4 =	vadd.s32 v1, v4;
	_ =	sdelay $0x1  }
0x7c: {  	v3 =	vperm.xlane v3, v2;
	_ =	sdelay $0x1  }
0x7d: {  	v3 =	vadd.s32 v1, v3  }
0x7e: {  	[hbm4b:s4+s2] =	stream.indirect_vreg.scatter [tilespmem:s9], [sflag:$0x5], $0x80, v4, vm0, $0xb8;
	[tilespmem:$0x18200] =	vst v63  }
0x7f: {  	s1 =	rddreg [dreg:$0x7]  }
0x80: {  	[hbm4b:s5+s2] =	stream.indirect_vreg.scatter [tilespmem:s1], [sflag:$0x5], $0x80, v4, vm0, $0xb8;
	[tilespmem:$0x18200] =	vst v63  }
0x81: {  	s3 =	rddreg [dreg:$0x8]  }
0x82: {  	[hbm4b:s4+s2] =	stream.indirect_vreg.scatter [tilespmem:s3], [sflag:$0x5], $0x80, v3, vm0, $0xb8;
	[tilespmem:$0x18200] =	vst v63  }
0x83: {  	s1 =	rddreg [dreg:$0x9]  }
0x84: {  	[hbm4b:s5+s2] =	stream.indirect_vreg.scatter [tilespmem:s1], [sflag:$0x5], $0x80, v3, vm0, $0xb8;
	[tilespmem:$0x18200] =	vst v63  }
0x85: {  	v3 =	vld [tilespmem:$0x90];
	_ =	sdelay $0x4  }
0x86: {  	v53 =	vshll.u32 v3, $0x2  }
0x87: {  	v3 =	vand.u32 $0x7, v3;
	v4 =	vand.u32 $0xFFFFFFE0, v53  }
0x88: {  	v3 =	vor.u32 v3, v4  }
0x89: {  	v4 =	vperm.xlane v3, v0;
	_ =	sdelay $0x1  }
0x8a: {  	v4 =	vadd.s32 v1, v4;
	_ =	sdelay $0x1  }
0x8b: {  	v3 =	vperm.xlane v3, v2;
	_ =	sdelay $0x1  }
0x8c: {  	s1 =	rddreg [dreg:$0xa];
	v3 =	vadd.s32 v1, v3  }
0x8d: {  	[hbm4b:s4+s2] =	stream.indirect_vreg.scatter [tilespmem:s1], [sflag:$0x5], $0x80, v4, vm0, $0xb8;
	[tilespmem:$0x18200] =	vst v63  }
0x8e: {  	s3 =	rddreg [dreg:$0xb]  }
0x8f: {  	[hbm4b:s5+s2] =	stream.indirect_vreg.scatter [tilespmem:s3], [sflag:$0x5], $0x80, v4, vm0, $0xb8;
	[tilespmem:$0x18200] =	vst v63  }
0x90: {  	s1 =	rddreg [dreg:$0xc]  }
0x91: {  	[hbm4b:s4+s2] =	stream.indirect_vreg.scatter [tilespmem:s1], [sflag:$0x5], $0x80, v3, vm0, $0xb8;
	[tilespmem:$0x18200] =	vst v63  }
0x92: {  	s3 =	rddreg [dreg:$0xd]  }
0x93: {  	[hbm4b:s5+s2] =	stream.indirect_vreg.scatter [tilespmem:s3], [sflag:$0x5], $0x80, v3, vm0, $0xb8;
	[tilespmem:$0x18200] =	vst v63  }
0x94: {  	v3 =	vld [tilespmem:$0xA0];
	_ =	sdelay $0x4  }
0x95: {  	v54 =	vshll.u32 v3, $0x2  }
0x96: {  	v3 =	vand.u32 $0x7, v3;
	v4 =	vand.u32 $0xFFFFFFE0, v54  }
0x97: {  	v3 =	vor.u32 v3, v4  }
0x98: {  	v4 =	vperm.xlane v3, v0;
	_ =	sdelay $0x1  }
0x99: {  	v4 =	vadd.s32 v1, v4;
	_ =	sdelay $0x1  }
0x9a: {  	v3 =	vperm.xlane v3, v2;
	_ =	sdelay $0x1  }
0x9b: {  	s1 =	rddreg [dreg:$0xe];
	v3 =	vadd.s32 v1, v3  }
0x9c: {  	[hbm4b:s4+s2] =	stream.indirect_vreg.scatter [tilespmem:s1], [sflag:$0x5], $0x80, v4, vm0, $0xb8;
	[tilespmem:$0x18200] =	vst v63  }
0x9d: {  	s3 =	rddreg [dreg:$0xf]  }
0x9e: {  	[hbm4b:s5+s2] =	stream.indirect_vreg.scatter [tilespmem:s3], [sflag:$0x5], $0x80, v4, vm0, $0xb8;
	[tilespmem:$0x18200] =	vst v63  }
0x9f: {  	s1 =	rddreg [dreg:$0x10]  }
0xa0: {  	[hbm4b:s4+s2] =	stream.indirect_vreg.scatter [tilespmem:s1], [sflag:$0x5], $0x80, v3, vm0, $0xb8;
	[tilespmem:$0x18200] =	vst v63  }
0xa1: {  	s3 =	rddreg [dreg:$0x11]  }
0xa2: {  	[hbm4b:s5+s2] =	stream.indirect_vreg.scatter [tilespmem:s3], [sflag:$0x5], $0x80, v3, vm0, $0xb8;
	[tilespmem:$0x18200] =	vst v63  }
0xa3: {  	v3 =	vld [tilespmem:$0xB0];
	_ =	sdelay $0x4  }
0xa4: {  	v55 =	vshll.u32 v3, $0x2  }
0xa5: {  	v3 =	vand.u32 $0x7, v3;
	v4 =	vand.u32 $0xFFFFFFE0, v55  }
0xa6: {  	v3 =	vor.u32 v3, v4  }
0xa7: {  	v4 =	vperm.xlane v3, v0;
	_ =	sdelay $0x1  }
0xa8: {  	v4 =	vadd.s32 v1, v4;
	_ =	sdelay $0x1  }
0xa9: {  	v3 =	vperm.xlane v3, v2;
	_ =	sdelay $0x1  }
0xaa: {  	s1 =	rddreg [dreg:$0x12];
	v3 =	vadd.s32 v1, v3  }
0xab: {  	[hbm4b:s4+s2] =	stream.indirect_vreg.scatter [tilespmem:s1], [sflag:$0x5], $0x80, v4, vm0, $0xb8;
	[tilespmem:$0x18200] =	vst v63  }
0xac: {  	s3 =	rddreg [dreg:$0x13]  }
0xad: {  	[hbm4b:s5+s2] =	stream.indirect_vreg.scatter [tilespmem:s3], [sflag:$0x5], $0x80, v4, vm0, $0xb8;
	[tilespmem:$0x18200] =	vst v63  }
0xae: {  	s1 =	rddreg [dreg:$0x14]  }
0xaf: {  	[hbm4b:s4+s2] =	stream.indirect_vreg.scatter [tilespmem:s1], [sflag:$0x5], $0x80, v3, vm0, $0xb8;
	[tilespmem:$0x18200] =	vst v63  }
0xb0: {  	s3 =	rddreg [dreg:$0x15]  }
0xb1: {  	[hbm4b:s5+s2] =	stream.indirect_vreg.scatter [tilespmem:s3], [sflag:$0x5], $0x80, v3, vm0, $0xb8;
	[tilespmem:$0x18200] =	vst v63  }
0xb2: {  	_ =	swait.ge [sflag:s29], $0x8000  }
0xb3: {  	[sflag:s29] =	ssyncset.done $0x0  }
0xb4: {  	s3 =	rddreg [dreg:$0x6];
	[sflag:s29] =	ssyncadd.s32 $0xFFFF8000  }
0xb5: {  	[tilespmem:s8], [sflag:$0x1] =	stream.linear.gather [hbm4b:s3+s2], $0x8000, $0x38;
	[tilespmem:$0x18200] =	vst v63  }
0xb6: {  	_ =	swait.ge [sflag:s30], $0x8000  }
0xb7: {  	[sflag:s30] =	ssyncset.done $0x0  }
0xb8: {  	[sflag:s30] =	ssyncadd.s32 $0xFFFF8000  }
0xb9: {  	v3 =	vld [tilespmem:$0x100];
	_ =	sdelay $0x4  }
0xba: {  	v56 =	vshll.u32 v3, $0x2  }
0xbb: {  	v3 =	vand.u32 $0x7, v3;
	v4 =	vand.u32 $0xFFFFFFE0, v56  }
0xbc: {  	v3 =	vor.u32 v3, v4  }
0xbd: {  	v4 =	vperm.xlane v3, v0;
	_ =	sdelay $0x1  }
0xbe: {  	v4 =	vadd.s32 v1, v4;
	_ =	sdelay $0x1  }
0xbf: {  	v3 =	vperm.xlane v3, v2;
	_ =	sdelay $0x1  }
0xc0: {  	v3 =	vadd.s32 v1, v3  }
0xc1: {  	[hbm4b:s4+s2] =	stream.indirect_vreg.scatter [tilespmem:s26], [sflag:$0x6], $0x80, v4, vm0, $0xb8;
	[tilespmem:$0x18200] =	vst v63  }
0xc2: {  	s1 =	rddreg [dreg:$0x16]  }
0xc3: {  	[hbm4b:s5+s2] =	stream.indirect_vreg.scatter [tilespmem:s1], [sflag:$0x6], $0x80, v4, vm0, $0xb8;
	[tilespmem:$0x18200] =	vst v63  }
0xc4: {  	s3 =	rddreg [dreg:$0x17]  }
0xc5: {  	[hbm4b:s4+s2] =	stream.indirect_vreg.scatter [tilespmem:s3], [sflag:$0x6], $0x80, v3, vm0, $0xb8;
	[tilespmem:$0x18200] =	vst v63  }
0xc6: {  	s1 =	rddreg [dreg:$0x18]  }
0xc7: {  	[hbm4b:s5+s2] =	stream.indirect_vreg.scatter [tilespmem:s1], [sflag:$0x6], $0x80, v3, vm0, $0xb8;
	[tilespmem:$0x18200] =	vst v63  }
0xc8: {  	v3 =	vld [tilespmem:$0x110];
	_ =	sdelay $0x4  }
0xc9: {  	v57 =	vshll.u32 v3, $0x2  }
0xca: {  	v3 =	vand.u32 $0x7, v3;
	v4 =	vand.u32 $0xFFFFFFE0, v57  }
0xcb: {  	v3 =	vor.u32 v3, v4  }
0xcc: {  	v4 =	vperm.xlane v3, v0;
	_ =	sdelay $0x1  }
0xcd: {  	v4 =	vadd.s32 v1, v4;
	_ =	sdelay $0x1  }
0xce: {  	v3 =	vperm.xlane v3, v2;
	_ =	sdelay $0x1  }
0xcf: {  	s1 =	rddreg [dreg:$0x19];
	v3 =	vadd.s32 v1, v3  }
0xd0: {  	[hbm4b:s4+s2] =	stream.indirect_vreg.scatter [tilespmem:s1], [sflag:$0x6], $0x80, v4, vm0, $0xb8;
	[tilespmem:$0x18200] =	vst v63  }
0xd1: {  	s3 =	rddreg [dreg:$0x1a]  }
0xd2: {  	[hbm4b:s5+s2] =	stream.indirect_vreg.scatter [tilespmem:s3], [sflag:$0x6], $0x80, v4, vm0, $0xb8;
	[tilespmem:$0x18200] =	vst v63  }
0xd3: {  	s1 =	rddreg [dreg:$0x1b]  }
0xd4: {  	[hbm4b:s4+s2] =	stream.indirect_vreg.scatter [tilespmem:s1], [sflag:$0x6], $0x80, v3, vm0, $0xb8;
	[tilespmem:$0x18200] =	vst v63  }
0xd5: {  	s3 =	rddreg [dreg:$0x1c]  }
0xd6: {  	[hbm4b:s5+s2] =	stream.indirect_vreg.scatter [tilespmem:s3], [sflag:$0x6], $0x80, v3, vm0, $0xb8;
	[tilespmem:$0x18200] =	vst v63  }
0xd7: {  	v3 =	vld [tilespmem:$0x120];
	_ =	sdelay $0x4  }
0xd8: {  	v58 =	vshll.u32 v3, $0x2  }
0xd9: {  	v3 =	vand.u32 $0x7, v3;
	v4 =	vand.u32 $0xFFFFFFE0, v58  }
0xda: {  	v3 =	vor.u32 v3, v4  }
0xdb: {  	v4 =	vperm.xlane v3, v0;
	_ =	sdelay $0x1  }
0xdc: {  	v4 =	vadd.s32 v1, v4;
	_ =	sdelay $0x1  }
0xdd: {  	v3 =	vperm.xlane v3, v2  }
0xde: {  	s1 =	rddreg [dreg:$0x1d]  }
0xdf: {  	s3 =	rddreg [dreg:$0x1e];
	v3 =	vadd.s32 v1, v3  }
0xe0: {  	[hbm4b:s4+s2] =	stream.indirect_vreg.scatter [tilespmem:s1], [sflag:$0x6], $0x80, v4, vm0, $0xb8;
	[tilespmem:$0x18200] =	vst v63  }
0xe1: {  	s1 =	rddreg [dreg:$0x1f]  }
0xe2: {  	[hbm4b:s5+s2] =	stream.indirect_vreg.scatter [tilespmem:s3], [sflag:$0x6], $0x80, v4, vm0, $0xb8;
	[tilespmem:$0x18200] =	vst v63  }
0xe3: {  	s3 =	sld [smem:$0x7F9]  }
0xe4: {  	[hbm4b:s4+s2] =	stream.indirect_vreg.scatter [tilespmem:s1], [sflag:$0x6], $0x80, v3, vm0, $0xb8;
	[tilespmem:$0x18200] =	vst v63  }
0xe5: {  	_ = 	snop  }
0xe6: {  	[hbm4b:s5+s2] =	stream.indirect_vreg.scatter [tilespmem:s3], [sflag:$0x6], $0x80, v3, vm0, $0xb8;
	[tilespmem:$0x18200] =	vst v63  }
0xe7: {  	v3 =	vld [tilespmem:$0x130];
	_ =	sdelay $0x4  }
0xe8: {  	v59 =	vshll.u32 v3, $0x2  }
0xe9: {  	v3 =	vand.u32 $0x7, v3;
	v4 =	vand.u32 $0xFFFFFFE0, v59  }
0xea: {  	v3 =	vor.u32 v3, v4  }
0xeb: {  	v4 =	vperm.xlane v3, v0;
	_ =	sdelay $0x1  }
0xec: {  	v4 =	vadd.s32 v1, v4;
	_ =	sdelay $0x1  }
0xed: {  	s1 =	sld [smem:$0x7FA];
	v3 =	vperm.xlane v3, v2;
	_ =	sdelay $0x1  }
0xee: {  	s3 =	sld [smem:$0x7FB];
	v3 =	vadd.s32 v1, v3  }
0xef: {  	[hbm4b:s4+s2] =	stream.indirect_vreg.scatter [tilespmem:s1], [sflag:$0x6], $0x80, v4, vm0, $0xb8;
	[tilespmem:$0x18200] =	vst v63  }
0xf0: {  	s1 =	sld [smem:$0x7FC]  }
0xf1: {  	[hbm4b:s5+s2] =	stream.indirect_vreg.scatter [tilespmem:s3], [sflag:$0x6], $0x80, v4, vm0, $0xb8;
	[tilespmem:$0x18200] =	vst v63  }
0xf2: {  	s3 =	sld [smem:$0x7FD]  }
0xf3: {  	[hbm4b:s4+s2] =	stream.indirect_vreg.scatter [tilespmem:s1], [sflag:$0x6], $0x80, v3, vm0, $0xb8;
	[tilespmem:$0x18200] =	vst v63  }
0xf4: {  	_ = 	snop  }
0xf5: {  	[hbm4b:s5+s2] =	stream.indirect_vreg.scatter [tilespmem:s3], [sflag:$0x6], $0x80, v3, vm0, $0xb8;
	[tilespmem:$0x18200] =	vst v63  }
0xf6: {  	_ =	swait.ge [sflag:s31], $0x8000  }
0xf7: {  	[sflag:s31] =	ssyncset.done $0x0  }
0xf8: {  	[sflag:s31] =	ssyncadd.s32 $0xFFFF8000  }
0xf9: {  	_ =	swait.ge [sflag:s10], $0x8000  }
0xfa: {  	[sflag:s10] =	ssyncset.done $0x0  }
0xfb: {  	[sflag:s10] =	ssyncadd.s32 $0xFFFF8000  }
0xfc: {  	v3 =	vld [tilespmem:$0x180];
	_ =	sdelay $0x4  }
0xfd: {  	v60 =	vshll.u32 v3, $0x2  }
0xfe: {  	v3 =	vand.u32 $0x7, v3;
	v4 =	vand.u32 $0xFFFFFFE0, v60  }
0xff: {  	v3 =	vor.u32 v3, v4  }
0x100: {  	v4 =	vperm.xlane v3, v0;
	_ =	sdelay $0x1  }
0x101: {  	v4 =	vadd.s32 v1, v4;
	_ =	sdelay $0x1  }
0x102: {  	v3 =	vperm.xlane v3, v2;
	_ =	sdelay $0x1  }
0x103: {  	v3 =	vadd.s32 v1, v3  }
0x104: {  	[hbm4b:s4+s2] =	stream.indirect_vreg.scatter [tilespmem:s8], [sflag:$0x4], $0x80, v4, vm0, $0xb8;
	[tilespmem:$0x18200] =	vst v63  }
0x105: {  	_ = 	snop  }
0x106: {  	[hbm4b:s5+s2] =	stream.indirect_vreg.scatter [tilespmem:s11], [sflag:$0x4], $0x80, v4, vm0, $0xb8;
	[tilespmem:$0x18200] =	vst v63  }
0x107: {  	_ = 	snop  }
0x108: {  	[hbm4b:s4+s2] =	stream.indirect_vreg.scatter [tilespmem:s12], [sflag:$0x4], $0x80, v3, vm0, $0xb8;
	[tilespmem:$0x18200] =	vst v63  }
0x109: {  	_ = 	snop  }
0x10a: {  	[hbm4b:s5+s2] =	stream.indirect_vreg.scatter [tilespmem:s13], [sflag:$0x4], $0x80, v3, vm0, $0xb8;
	[tilespmem:$0x18200] =	vst v63  }
0x10b: {  	v3 =	vld [tilespmem:$0x190];
	_ =	sdelay $0x4  }
0x10c: {  	v61 =	vshll.u32 v3, $0x2  }
0x10d: {  	v3 =	vand.u32 $0x7, v3;
	v4 =	vand.u32 $0xFFFFFFE0, v61  }
0x10e: {  	v3 =	vor.u32 v3, v4  }
0x10f: {  	v4 =	vperm.xlane v3, v0;
	_ =	sdelay $0x1  }
0x110: {  	v4 =	vadd.s32 v1, v4;
	_ =	sdelay $0x1  }
0x111: {  	v3 =	vperm.xlane v3, v2;
	_ =	sdelay $0x1  }
0x112: {  	v3 =	vadd.s32 v1, v3  }
0x113: {  	[hbm4b:s4+s2] =	stream.indirect_vreg.scatter [tilespmem:s14], [sflag:$0x4], $0x80, v4, vm0, $0xb8;
	[tilespmem:$0x18200] =	vst v63  }
0x114: {  	_ = 	snop  }
0x115: {  	[hbm4b:s5+s2] =	stream.indirect_vreg.scatter [tilespmem:s15], [sflag:$0x4], $0x80, v4, vm0, $0xb8;
	[tilespmem:$0x18200] =	vst v63  }
0x116: {  	_ = 	snop  }
0x117: {  	[hbm4b:s4+s2] =	stream.indirect_vreg.scatter [tilespmem:s16], [sflag:$0x4], $0x80, v3, vm0, $0xb8;
	[tilespmem:$0x18200] =	vst v63  }
0x118: {  	_ = 	snop  }
0x119: {  	[hbm4b:s5+s2] =	stream.indirect_vreg.scatter [tilespmem:s17], [sflag:$0x4], $0x80, v3, vm0, $0xb8;
	[tilespmem:$0x18200] =	vst v63  }
0x11a: {  	v3 =	vld [tilespmem:$0x1A0];
	_ =	sdelay $0x4  }
0x11b: {  	v62 =	vshll.u32 v3, $0x2  }
0x11c: {  	v3 =	vand.u32 $0x7, v3;
	v4 =	vand.u32 $0xFFFFFFE0, v62  }
0x11d: {  	v3 =	vor.u32 v3, v4  }
0x11e: {  	v4 =	vperm.xlane v3, v0;
	_ =	sdelay $0x1  }
0x11f: {  	v4 =	vadd.s32 v1, v4;
	_ =	sdelay $0x1  }
0x120: {  	v3 =	vperm.xlane v3, v2;
	_ =	sdelay $0x1  }
0x121: {  	v3 =	vadd.s32 v1, v3  }
0x122: {  	[hbm4b:s4+s2] =	stream.indirect_vreg.scatter [tilespmem:s18], [sflag:$0x4], $0x80, v4, vm0, $0xb8;
	[tilespmem:$0x18200] =	vst v63  }
0x123: {  	_ = 	snop  }
0x124: {  	[hbm4b:s5+s2] =	stream.indirect_vreg.scatter [tilespmem:s19], [sflag:$0x4], $0x80, v4, vm0, $0xb8;
	[tilespmem:$0x18200] =	vst v63  }
0x125: {  	_ = 	snop  }
0x126: {  	[hbm4b:s4+s2] =	stream.indirect_vreg.scatter [tilespmem:s20], [sflag:$0x4], $0x80, v3, vm0, $0xb8;
	[tilespmem:$0x18200] =	vst v63  }
0x127: {  	_ = 	snop  }
0x128: {  	[hbm4b:s5+s2] =	stream.indirect_vreg.scatter [tilespmem:s21], [sflag:$0x4], $0x80, v3, vm0, $0xb8;
	[tilespmem:$0x18200] =	vst v63  }
0x129: {  	v3 =	vld [tilespmem:$0x1B0];
	_ =	sdelay $0x4  }
0x12a: {  	v63 =	vshll.u32 v3, $0x2  }
0x12b: {  	v3 =	vand.u32 $0x7, v3;
	v4 =	vand.u32 $0xFFFFFFE0, v63  }
0x12c: {  	v3 =	vor.u32 v3, v4  }
0x12d: {  	v4 =	vperm.xlane v3, v0;
	_ =	sdelay $0x1  }
0x12e: {  	v4 =	vadd.s32 v1, v4;
	_ =	sdelay $0x1  }
0x12f: {  	v3 =	vperm.xlane v3, v2;
	_ =	sdelay $0x1  }
0x130: {  	v3 =	vadd.s32 v1, v3  }
0x131: {  	[hbm4b:s4+s2] =	stream.indirect_vreg.scatter [tilespmem:s22], [sflag:$0x4], $0x80, v4, vm0, $0xb8;
	[tilespmem:$0x18200] =	vst v63  }
0x132: {  	_ = 	snop  }
0x133: {  	[hbm4b:s5+s2] =	stream.indirect_vreg.scatter [tilespmem:s23], [sflag:$0x4], $0x80, v4, vm0, $0xb8;
	[tilespmem:$0x18200] =	vst v63  }
0x134: {  	_ = 	snop  }
0x135: {  	[hbm4b:s4+s2] =	stream.indirect_vreg.scatter [tilespmem:s24], [sflag:$0x4], $0x80, v3, vm0, $0xb8;
	[tilespmem:$0x18200] =	vst v63  }
0x136: {  	_ = 	snop  }
0x137: {  	[hbm4b:s5+s2] =	stream.indirect_vreg.scatter [tilespmem:s25], [sflag:$0x4], $0x80, v3, vm0, $0xb8;
	[tilespmem:$0x18200] =	vst v63  }
0x138: {  	p0 =	sne.s32 s6, $0x1;
	_ =	swait.ge [sflag:s0], $0x8000  }
.Ltmp0:
0x139: {  	[sflag:s0] =	ssyncset.done $0x0;
	(pc) =	sbr.rel @p0 .LBB2_1-.Ltmp0, $4  }
0x13a: {  	[sflag:s0] =	ssyncadd.s32 $0xFFFF8000  }
0x13b: {  	_ =	swait.ge [sflag:s29], $0x8000  }
0x13c: {  	[sflag:s29] =	ssyncset.done $0x0  }
0x13d: {  	s6 =	sadd.s32 $0xFFFFFFFF, s6;
	[sflag:s29] =	ssyncadd.s32 $0xFFFF8000  }
0x13e: {  	_ =	sfence.sel $0x180000  }
0x13f: {  	[bflag:$0x0] =	sbarrier.arrive $0xFFFF  }
0x140: {  	_ =	strace $0x90000047  }
0x141: {  	s0 =	stileid.u32;
	[bflag:$0x2] =	sbarrier.arrive $0xFFFF  }
0x142: {  	p0 =	sne.s32 s0, $0x0;
	s0 =	rddreg [dreg:$0x2]  }
0x143: {  	s0 =	sadd.s32 @!p0 $0x100000, s0  }
0x144: {  	[sflag:s0] =	ssyncadd.tile.s32 @!p0 $0x1;
	_ =	shalt  }
.Lfunc_end2:
_tile_overlayer_lowered:
.L_overlay_start_2:
0x145: {  	(tag) =	ssettag $0x2  }
0x146: {  	s0 =	rddreg [dreg:$0x0];
	s2 =	stileid.u32  }
0x147: {  	s1 =	rddreg [dreg:$0x1];
	p0 =	sne.s32 s2, $0x0  }
0x148: {  	s3 =	rddreg [dreg:$0x2];
	[bflag:$0x3] =	sbarrier.arrive $0xFFFF;
	s2 =	simm.s32 @!p0 $0x1C07  }
0x149: {  	[timem:s3], [sflag:s2] =	dma.local @!p0 [hbm:s0], s1  }
0x14a: {  	s0 =	simm.s32 @!p0 $0x7  }
0x14b: {  	_ =	swait.ge @!p0 [sflag:s0], s1  }
0x14c: {  	s1 =	ssub.s32 @!p0 $0x0, s1;
	[sflag:s0] =	ssyncset.done @!p0 $0x0  }
0x14d: {  	[sflag:s0] =	ssyncadd.s32 @!p0 s1  }
0x14e: {  	[bflag:$0x3] =	sbarrier.arrive $0xFFFF  }
0x14f: {  	_ =	shalt  }

</sc_bundles>
